<compile_context>
chip_gen: v7x
topology: tpu7x:2x2x1
jax: 0.10.2.dev20260603
libtpu: 0.0.44.dev20260713+nightly
codegen_flags: <defaults>
</compile_context>

<pallas_src>
import functools
import math

import jax
import jax.numpy as jnp
from jax import lax
from jax.experimental import pallas as pl
from jax.experimental.pallas import tpu as pltpu
from jax.experimental.pallas import tpu_sc as plsc

D_MODEL = 64
SCALE = math.sqrt(D_MODEL)
PAD_D = 128

_NC = 2
_NS = 16
_L = 16
_NW = _NC * _NS

_NBUF = 4
_LEAD = 2
_GMAX = 128


@functools.lru_cache(maxsize=None)
def _make_lookup(vocab, n_rows, n_cols):
    rows_per_w = n_rows // _NW
    splits = []
    c0 = 0
    while c0 < n_cols:
        g = min(_GMAX, n_cols - c0)
        splits.append((c0, g))
        c0 += g
    mesh = plsc.VectorSubcoreMesh(core_axis_name="c", subcore_axis_name="s")

    scratch = [pltpu.VMEM((rows_per_w, n_cols), jnp.int32)]
    scratch += [pltpu.VMEM((n_cols, D_MODEL), jnp.float32) for _ in range(_NBUF)]
    scratch += [pltpu.SemaphoreType.DMA for _ in range(2 * _NBUF)]

    @functools.partial(
        pl.kernel,
        mesh=mesh,
        out_type=jax.ShapeDtypeStruct((n_rows, n_cols, PAD_D), jnp.float32),
        scratch_types=scratch,
        compiler_params=pltpu.CompilerParams(use_tc_tiling_on_sc=False),
    )
    def lookup(table_hbm, idx_hbm, out_hbm, idx_v, *bufs):
        rows = bufs[:_NBUF]
        sem_in = bufs[_NBUF:2 * _NBUF]
        sem_out = bufs[2 * _NBUF:]
        wid = lax.axis_index("s") * _NC + lax.axis_index("c")
        base = wid * rows_per_w
        pltpu.sync_copy(idx_hbm.at[pl.ds(base, rows_per_w)], idx_v)

        def fire_gather(g, b):
            for (c0, gw) in splits:
                pltpu.async_copy(
                    table_hbm.at[idx_v.at[g, pl.ds(c0, gw)]],
                    rows[b].at[pl.ds(c0, gw)],
                    sem_in[b],
                )

        def wait_gather(b):
            pltpu.make_async_copy(
                table_hbm.at[pl.ds(0, n_cols)], rows[b], sem_in[b]
            ).wait()

        def fire_writeback(g, b):
            pltpu.async_copy(
                rows[b], out_hbm.at[base + g, :, pl.ds(0, D_MODEL)], sem_out[b]
            )

        def wait_writeback(b):
            pltpu.make_async_copy(
                rows[b], out_hbm.at[0, :, pl.ds(0, D_MODEL)], sem_out[b]
            ).wait()

        for g in range(_LEAD):
            fire_gather(g, g % _NBUF)

        def superstep(c, _):
            for b in range(_NBUF):
                g = c * _NBUF + b
                gf = g + _LEAD
                bf = (b + _LEAD) % _NBUF

                @pl.when(gf < rows_per_w)
                def _fire():
                    @pl.when(gf >= _NBUF)
                    def _wb():
                        wait_writeback(bf)

                    fire_gather(gf, bf)

                wait_gather(b)

                @plsc.parallel_loop(0, n_cols, step=1, unroll=8)
                def _scale(i):
                    for j in range(D_MODEL // _L):
                        sl = pl.ds(j * _L, _L)
                        rows[b][i, sl] = rows[b][i, sl] * SCALE

                fire_writeback(g, b)
            return 0

        lax.fori_loop(0, rows_per_w // _NBUF, superstep, 0)

        for b in range(_NBUF):
            wait_writeback(b)

    return lookup


def kernel(x, embedding):
    n_rows, n_cols = x.shape
    vocab = embedding.shape[0]
    idx = jnp.clip(x.astype(jnp.int32), 0, vocab - 1)
    out = _make_lookup(vocab, n_rows, n_cols)(embedding, idx)
    return out[:, :, :D_MODEL]

# --- scband reference (transcript-rebuilt; emitter-appended) ---
"""Pipeline reference for scband-input-embeddings-42631845380934 (READ-ONLY COPY).

The authoritative reference and input builder live on the scoring server;
editing this copy changes nothing except your own understanding.
"""

import jax, jax.numpy as jnp
import numpy as np
import math

VOCAB_SIZE = 1000000
D_MODEL = 64

def setup_inputs(seed: int = 0) -> dict:
    key = jax.random.key(seed)
    k_idx, k_emb = jax.random.split(key)
    x = jax.random.randint(k_idx, (4096, 200), 0, VOCAB_SIZE, dtype=jnp.int64 if jax.config.jax_enable_x64 else jnp.int32)
    embedding = jax.random.normal(k_emb, (VOCAB_SIZE, D_MODEL), dtype=jnp.float32)
    return {"x": x, "embedding": embedding}

def reference(x, embedding):
    # nn.Embedding lookup followed by scaling by sqrt(d_model)
    out = jnp.take(embedding, x, axis=0)
    return out * math.sqrt(D_MODEL)

if __name__ == "__main__":
    import jax
    _d = setup_inputs()
    print(jax.jit(kernel)(*tuple(_d.values())))

</pallas_src>

<mosaic_0001>
#map = affine_map<(d0, d1) -> (0, 0)>
#map1 = affine_map<(d0, d1) -> (0, 0, 0)>
module attributes {stable_mosaic.version = 14 : i64} {
  func.func @lookup(%arg0: i32, %arg1: i32, %arg2: memref<1000000x64xf32, #tpu.memory_space<hbm>>, %arg3: memref<4096x200xi32, #tpu.memory_space<hbm>>, %arg4: memref<4096x200x128xf32, #tpu.memory_space<hbm>>, %arg5: memref<128x200xi32, #tpu.memory_space<vmem>>, %arg6: memref<200x64xf32, #tpu.memory_space<vmem>>, %arg7: memref<200x64xf32, #tpu.memory_space<vmem>>, %arg8: memref<200x64xf32, #tpu.memory_space<vmem>>, %arg9: memref<200x64xf32, #tpu.memory_space<vmem>>, %arg10: memref<!tpu.dma_semaphore, #tpu.memory_space<semaphore_mem>>, %arg11: memref<!tpu.dma_semaphore, #tpu.memory_space<semaphore_mem>>, %arg12: memref<!tpu.dma_semaphore, #tpu.memory_space<semaphore_mem>>, %arg13: memref<!tpu.dma_semaphore, #tpu.memory_space<semaphore_mem>>, %arg14: memref<!tpu.dma_semaphore, #tpu.memory_space<semaphore_mem>>, %arg15: memref<!tpu.dma_semaphore, #tpu.memory_space<semaphore_mem>>, %arg16: memref<!tpu.dma_semaphore, #tpu.memory_space<semaphore_mem>>, %arg17: memref<!tpu.dma_semaphore, #tpu.memory_space<semaphore_mem>>) attributes {dimension_semantics = [#tpu.dimension_semantics<core_parallel>, #tpu.dimension_semantics<subcore_parallel>], iteration_bounds = array<i64: 2, 16>, scalar_prefetch = 0 : i64, scratch_operands = 13 : i64, tpu.core_type = #tpu.core_type<sc_vector_subcore>, window_params = [{transform_indices = #map}, {transform_indices = #map}, {transform_indices = #map1}]} {
    %mul3A = arith.constant 2 : i32
    %mul3A_0 = arith.muli %arg1, %mul3A : i32
    %add3A = arith.addi %mul3A_0, %arg0 : i32
    %mul3A_1 = arith.constant 128 : i32
    %mul3A_2 = arith.muli %add3A, %mul3A_1 : i32
    "tpu.region"() ({
      %run_scoped3A = tpu.sem_alloc : memref<!tpu.dma_semaphore, #tpu.memory_space<semaphore_mem>>
      %dma_start3A_83 = arith.constant 0 : i32
      %dma_start3A_84 = tpu.memref_slice %arg3[%mul3A_2, %dma_start3A_83] : memref<4096x200xi32, #tpu.memory_space<hbm>> -> memref<128x200xi32, #tpu.memory_space<hbm>>
      %dma_start3A_85 = arith.constant 0 : i32
      %dma_start3A_86 = tpu.memref_slice %arg3[%mul3A_2, %dma_start3A_85] : memref<4096x200xi32, #tpu.memory_space<hbm>> -> memref<128x200xi32, #tpu.memory_space<hbm>>
      tpu.enqueue_dma source(%dma_start3A_86 : memref<128x200xi32, #tpu.memory_space<hbm>>) target(%arg5 : memref<128x200xi32, #tpu.memory_space<vmem>>) target_semaphore(%run_scoped3A : memref<!tpu.dma_semaphore, #tpu.memory_space<semaphore_mem>>)
      %dma_wait3A_87 = arith.constant 0 : i32
      %dma_wait3A_88 = tpu.memref_slice %arg3[%mul3A_2, %dma_wait3A_87] : memref<4096x200xi32, #tpu.memory_space<hbm>> -> memref<128x200xi32, #tpu.memory_space<hbm>>
      %dma_wait3A_89 = arith.constant 0 : i32
      %dma_wait3A_90 = tpu.memref_slice %arg3[%mul3A_2, %dma_wait3A_89] : memref<4096x200xi32, #tpu.memory_space<hbm>> -> memref<128x200xi32, #tpu.memory_space<hbm>>
      tpu.wait_dma2 semaphore(%run_scoped3A : memref<!tpu.dma_semaphore, #tpu.memory_space<semaphore_mem>>) src(%dma_wait3A_90 : memref<128x200xi32, #tpu.memory_space<hbm>>) dst(%arg5 : memref<128x200xi32, #tpu.memory_space<vmem>>)
      tpu.yield
    }) : () -> ()
    %dma_start3A = arith.constant 0 : i32
    %dma_start3A_3 = arith.constant 0 : i32
    %dma_start3A_4 = arith.constant 0 : i32
    %dma_start3A_5 = tpu.memref_slice %arg6[%dma_start3A_3, %dma_start3A_4] : memref<200x64xf32, #tpu.memory_space<vmem>> -> memref<128x64xf32, #tpu.memory_space<vmem>>
    %dma_start3A_6 = arith.constant 0 : i32
    %dma_start3A_7 = tpu.memref_slice %arg5[%dma_start3A, %dma_start3A_6] : memref<128x200xi32, #tpu.memory_space<vmem>> -> memref<1x128xi32, #tpu.memory_space<vmem>>
    %dma_start3A_8 = tpu.memref_squeeze %dma_start3A_7 : memref<1x128xi32, #tpu.memory_space<vmem>> -> memref<128xi32, #tpu.memory_space<vmem>>
    %dma_start3A_9 = arith.constant 0 : i32
    %dma_start3A_10 = arith.constant 0 : i32
    %dma_start3A_11 = tpu.memref_slice %arg2[%dma_start3A_9, %dma_start3A_10] : memref<1000000x64xf32, #tpu.memory_space<hbm>> -> memref<1000000x64xf32, #tpu.memory_space<hbm>>
    tpu.enqueue_indirect_dma source(%dma_start3A_11 : memref<1000000x64xf32, #tpu.memory_space<hbm>>) target(%dma_start3A_5 : memref<128x64xf32, #tpu.memory_space<vmem>>) offsets(%dma_start3A_8 : memref<128xi32, #tpu.memory_space<vmem>>) semaphore(%arg10 : memref<!tpu.dma_semaphore, #tpu.memory_space<semaphore_mem>>)
    %dma_start3A_12 = arith.constant 0 : i32
    %dma_start3A_13 = arith.constant 128 : i32
    %dma_start3A_14 = arith.constant 0 : i32
    %dma_start3A_15 = tpu.memref_slice %arg6[%dma_start3A_13, %dma_start3A_14] : memref<200x64xf32, #tpu.memory_space<vmem>> -> memref<72x64xf32, #tpu.memory_space<vmem>>
    %dma_start3A_16 = arith.constant 128 : i32
    %dma_start3A_17 = tpu.memref_slice %arg5[%dma_start3A_12, %dma_start3A_16] : memref<128x200xi32, #tpu.memory_space<vmem>> -> memref<1x72xi32, #tpu.memory_space<vmem>>
    %dma_start3A_18 = tpu.memref_squeeze %dma_start3A_17 : memref<1x72xi32, #tpu.memory_space<vmem>> -> memref<72xi32, #tpu.memory_space<vmem>>
    %dma_start3A_19 = arith.constant 0 : i32
    %dma_start3A_20 = arith.constant 0 : i32
    %dma_start3A_21 = tpu.memref_slice %arg2[%dma_start3A_19, %dma_start3A_20] : memref<1000000x64xf32, #tpu.memory_space<hbm>> -> memref<1000000x64xf32, #tpu.memory_space<hbm>>
    tpu.enqueue_indirect_dma source(%dma_start3A_21 : memref<1000000x64xf32, #tpu.memory_space<hbm>>) target(%dma_start3A_15 : memref<72x64xf32, #tpu.memory_space<vmem>>) offsets(%dma_start3A_18 : memref<72xi32, #tpu.memory_space<vmem>>) semaphore(%arg10 : memref<!tpu.dma_semaphore, #tpu.memory_space<semaphore_mem>>)
    %dma_start3A_22 = arith.constant 1 : i32
    %dma_start3A_23 = arith.constant 0 : i32
    %dma_start3A_24 = arith.constant 0 : i32
    %dma_start3A_25 = tpu.memref_slice %arg7[%dma_start3A_23, %dma_start3A_24] : memref<200x64xf32, #tpu.memory_space<vmem>> -> memref<128x64xf32, #tpu.memory_space<vmem>>
    %dma_start3A_26 = arith.constant 0 : i32
    %dma_start3A_27 = tpu.memref_slice %arg5[%dma_start3A_22, %dma_start3A_26] : memref<128x200xi32, #tpu.memory_space<vmem>> -> memref<1x128xi32, #tpu.memory_space<vmem>>
    %dma_start3A_28 = tpu.memref_squeeze %dma_start3A_27 : memref<1x128xi32, #tpu.memory_space<vmem>> -> memref<128xi32, #tpu.memory_space<vmem>>
    %dma_start3A_29 = arith.constant 0 : i32
    %dma_start3A_30 = arith.constant 0 : i32
    %dma_start3A_31 = tpu.memref_slice %arg2[%dma_start3A_29, %dma_start3A_30] : memref<1000000x64xf32, #tpu.memory_space<hbm>> -> memref<1000000x64xf32, #tpu.memory_space<hbm>>
    tpu.enqueue_indirect_dma source(%dma_start3A_31 : memref<1000000x64xf32, #tpu.memory_space<hbm>>) target(%dma_start3A_25 : memref<128x64xf32, #tpu.memory_space<vmem>>) offsets(%dma_start3A_28 : memref<128xi32, #tpu.memory_space<vmem>>) semaphore(%arg11 : memref<!tpu.dma_semaphore, #tpu.memory_space<semaphore_mem>>)
    %dma_start3A_32 = arith.constant 1 : i32
    %dma_start3A_33 = arith.constant 128 : i32
    %dma_start3A_34 = arith.constant 0 : i32
    %dma_start3A_35 = tpu.memref_slice %arg7[%dma_start3A_33, %dma_start3A_34] : memref<200x64xf32, #tpu.memory_space<vmem>> -> memref<72x64xf32, #tpu.memory_space<vmem>>
    %dma_start3A_36 = arith.constant 128 : i32
    %dma_start3A_37 = tpu.memref_slice %arg5[%dma_start3A_32, %dma_start3A_36] : memref<128x200xi32, #tpu.memory_space<vmem>> -> memref<1x72xi32, #tpu.memory_space<vmem>>
    %dma_start3A_38 = tpu.memref_squeeze %dma_start3A_37 : memref<1x72xi32, #tpu.memory_space<vmem>> -> memref<72xi32, #tpu.memory_space<vmem>>
    %dma_start3A_39 = arith.constant 0 : i32
    %dma_start3A_40 = arith.constant 0 : i32
    %dma_start3A_41 = tpu.memref_slice %arg2[%dma_start3A_39, %dma_start3A_40] : memref<1000000x64xf32, #tpu.memory_space<hbm>> -> memref<1000000x64xf32, #tpu.memory_space<hbm>>
    tpu.enqueue_indirect_dma source(%dma_start3A_41 : memref<1000000x64xf32, #tpu.memory_space<hbm>>) target(%dma_start3A_35 : memref<72x64xf32, #tpu.memory_space<vmem>>) offsets(%dma_start3A_38 : memref<72xi32, #tpu.memory_space<vmem>>) semaphore(%arg11 : memref<!tpu.dma_semaphore, #tpu.memory_space<semaphore_mem>>)
    %scan3A = arith.constant 0 : i32
    %scan3A_42 = arith.constant 0 : i32
    %scan3A_43 = arith.constant 32 : i32
    %scan3A_44 = arith.addi %scan3A_42, %scan3A_43 : i32
    %scan3A_45 = arith.constant 1 : i32
    %scan3A_46 = scf.for %scan3A_83 = %scan3A_42 to %scan3A_44 step %scan3A_45 iter_args(%scan3A_84 = %scan3A) -> (i32)  : i32 {
      %mul3A_85 = arith.constant 4 : i32
      %mul3A_86 = arith.muli %scan3A_83, %mul3A_85 : i32
      %add3A_87 = arith.constant 0 : i32
      %add3A_88 = arith.addi %mul3A_86, %add3A_87 : i32
      %add3A_89 = arith.constant 2 : i32
      %add3A_90 = arith.addi %add3A_88, %add3A_89 : i32
      %lt3A = arith.constant 128 : i32
      %lt3A_91 = arith.cmpi slt, %add3A_90, %lt3A : i32
      %convert_element_type3A = arith.extui %lt3A_91 : i1 to i32
      %cond3A = arith.constant 0 : i32
      %cond3A_92 = arith.cmpi ne, %convert_element_type3A, %cond3A : i32
      scf.if %cond3A_92 {
        %ge3A = arith.constant 4 : i32
        %ge3A_198 = arith.cmpi sge, %add3A_90, %ge3A : i32
        %convert_element_type3A_199 = arith.extui %ge3A_198 : i1 to i32
        %cond3A_200 = arith.constant 0 : i32
        %cond3A_201 = arith.cmpi ne, %convert_element_type3A_199, %cond3A_200 : i32
        scf.if %cond3A_201 {
          %dma_wait3A_220 = arith.constant 0 : i32
          %dma_wait3A_221 = arith.constant 0 : i32
          %dma_wait3A_222 = arith.constant 0 : i32
          %dma_wait3A_223 = tpu.memref_slice %arg4[%dma_wait3A_220, %dma_wait3A_221, %dma_wait3A_222] : memref<4096x200x128xf32, #tpu.memory_space<hbm>> -> memref<1x200x64xf32, #tpu.memory_space<hbm>>
          %dma_wait3A_224 = tpu.memref_squeeze %dma_wait3A_223 : memref<1x200x64xf32, #tpu.memory_space<hbm>> -> memref<200x64xf32, #tpu.memory_space<hbm>>
          %dma_wait3A_225 = arith.constant 0 : i32
          %dma_wait3A_226 = arith.constant 0 : i32
          %dma_wait3A_227 = tpu.memref_slice %arg4[%dma_wait3A_220, %dma_wait3A_225, %dma_wait3A_226] : memref<4096x200x128xf32, #tpu.memory_space<hbm>> -> memref<1x200x64xf32, #tpu.memory_space<hbm>>
          %dma_wait3A_228 = tpu.memref_squeeze %dma_wait3A_227 : memref<1x200x64xf32, #tpu.memory_space<hbm>> -> memref<200x64xf32, #tpu.memory_space<hbm>>
          tpu.wait_dma2 semaphore(%arg16 : memref<!tpu.dma_semaphore, #tpu.memory_space<semaphore_mem>>) src(%arg8 : memref<200x64xf32, #tpu.memory_space<vmem>>) dst(%dma_wait3A_228 : memref<200x64xf32, #tpu.memory_space<hbm>>)
        } else {
        }
        %dma_start3A_202 = arith.constant 0 : i32
        %dma_start3A_203 = arith.constant 0 : i32
        %dma_start3A_204 = tpu.memref_slice %arg8[%dma_start3A_202, %dma_start3A_203] : memref<200x64xf32, #tpu.memory_space<vmem>> -> memref<128x64xf32, #tpu.memory_space<vmem>>
        %dma_start3A_205 = arith.constant 0 : i32
        %dma_start3A_206 = tpu.memref_slice %arg5[%add3A_90, %dma_start3A_205] : memref<128x200xi32, #tpu.memory_space<vmem>> -> memref<1x128xi32, #tpu.memory_space<vmem>>
        %dma_start3A_207 = tpu.memref_squeeze %dma_start3A_206 : memref<1x128xi32, #tpu.memory_space<vmem>> -> memref<128xi32, #tpu.memory_space<vmem>>
        %dma_start3A_208 = arith.constant 0 : i32
        %dma_start3A_209 = arith.constant 0 : i32
        %dma_start3A_210 = tpu.memref_slice %arg2[%dma_start3A_208, %dma_start3A_209] : memref<1000000x64xf32, #tpu.memory_space<hbm>> -> memref<1000000x64xf32, #tpu.memory_space<hbm>>
        tpu.enqueue_indirect_dma source(%dma_start3A_210 : memref<1000000x64xf32, #tpu.memory_space<hbm>>) target(%dma_start3A_204 : memref<128x64xf32, #tpu.memory_space<vmem>>) offsets(%dma_start3A_207 : memref<128xi32, #tpu.memory_space<vmem>>) semaphore(%arg12 : memref<!tpu.dma_semaphore, #tpu.memory_space<semaphore_mem>>)
        %dma_start3A_211 = arith.constant 128 : i32
        %dma_start3A_212 = arith.constant 0 : i32
        %dma_start3A_213 = tpu.memref_slice %arg8[%dma_start3A_211, %dma_start3A_212] : memref<200x64xf32, #tpu.memory_space<vmem>> -> memref<72x64xf32, #tpu.memory_space<vmem>>
        %dma_start3A_214 = arith.constant 128 : i32
        %dma_start3A_215 = tpu.memref_slice %arg5[%add3A_90, %dma_start3A_214] : memref<128x200xi32, #tpu.memory_space<vmem>> -> memref<1x72xi32, #tpu.memory_space<vmem>>
        %dma_start3A_216 = tpu.memref_squeeze %dma_start3A_215 : memref<1x72xi32, #tpu.memory_space<vmem>> -> memref<72xi32, #tpu.memory_space<vmem>>
        %dma_start3A_217 = arith.constant 0 : i32
        %dma_start3A_218 = arith.constant 0 : i32
        %dma_start3A_219 = tpu.memref_slice %arg2[%dma_start3A_217, %dma_start3A_218] : memref<1000000x64xf32, #tpu.memory_space<hbm>> -> memref<1000000x64xf32, #tpu.memory_space<hbm>>
        tpu.enqueue_indirect_dma source(%dma_start3A_219 : memref<1000000x64xf32, #tpu.memory_space<hbm>>) target(%dma_start3A_213 : memref<72x64xf32, #tpu.memory_space<vmem>>) offsets(%dma_start3A_216 : memref<72xi32, #tpu.memory_space<vmem>>) semaphore(%arg12 : memref<!tpu.dma_semaphore, #tpu.memory_space<semaphore_mem>>)
      } else {
      }
      %dma_wait3A_93 = arith.constant 0 : i32
      %dma_wait3A_94 = arith.constant 0 : i32
      %dma_wait3A_95 = tpu.memref_slice %arg2[%dma_wait3A_93, %dma_wait3A_94] : memref<1000000x64xf32, #tpu.memory_space<hbm>> -> memref<200x64xf32, #tpu.memory_space<hbm>>
      %dma_wait3A_96 = arith.constant 0 : i32
      %dma_wait3A_97 = arith.constant 0 : i32
      %dma_wait3A_98 = tpu.memref_slice %arg2[%dma_wait3A_96, %dma_wait3A_97] : memref<1000000x64xf32, #tpu.memory_space<hbm>> -> memref<200x64xf32, #tpu.memory_space<hbm>>
      tpu.wait_dma2 semaphore(%arg10 : memref<!tpu.dma_semaphore, #tpu.memory_space<semaphore_mem>>) src(%dma_wait3A_98 : memref<200x64xf32, #tpu.memory_space<hbm>>) dst(%arg6 : memref<200x64xf32, #tpu.memory_space<vmem>>)
      %parallel_loop3A = arith.constant 0 : i32
      %parallel_loop3A_99 = arith.constant 200 : i32
      %parallel_loop3A_100 = arith.constant 1 : i32
      scf.for %parallel_loop3A_198 = %parallel_loop3A to %parallel_loop3A_99 step %parallel_loop3A_100  : i32 {
        %parallel_loop3A_199 = arith.index_cast %parallel_loop3A_198 : i32 to index
        %parallel_loop3A_200 = arith.constant 0 : index
        %parallel_loop3A_201 = tpu.vector_load %arg6[%parallel_loop3A_199, %parallel_loop3A_200] {strides = array<i32>} : memref<200x64xf32, #tpu.memory_space<vmem>>, vector<1x16xf32>,
        %parallel_loop3A_202 = vector.shape_cast %parallel_loop3A_201 : vector<1x16xf32> to vector<16xf32>
        %parallel_loop3A_203 = arith.constant 8.000000e+00 : f32
        %parallel_loop3A_204 = vector.broadcast %parallel_loop3A_203 : f32 to vector<16xf32>
        %parallel_loop3A_205 = arith.mulf %parallel_loop3A_202, %parallel_loop3A_204 : vector<16xf32>
        %parallel_loop3A_206 = arith.index_cast %parallel_loop3A_198 : i32 to index
        %parallel_loop3A_207 = arith.constant 0 : index
        %parallel_loop3A_208 = tpu.vector_load %arg6[%parallel_loop3A_206, %parallel_loop3A_207] {strides = array<i32>} : memref<200x64xf32, #tpu.memory_space<vmem>>, vector<1x16xf32>,
        %parallel_loop3A_209 = vector.shape_cast %parallel_loop3A_208 : vector<1x16xf32> to vector<16xf32>
        %parallel_loop3A_210 = vector.shape_cast %parallel_loop3A_205 : vector<16xf32> to vector<1x16xf32>
        tpu.vector_store %arg6[%parallel_loop3A_206, %parallel_loop3A_207], %parallel_loop3A_210 {strides = array<i32>} : memref<200x64xf32, #tpu.memory_space<vmem>>, vector<1x16xf32>,
        %parallel_loop3A_211 = arith.index_cast %parallel_loop3A_198 : i32 to index
        %parallel_loop3A_212 = arith.constant 16 : index
        %parallel_loop3A_213 = tpu.vector_load %arg6[%parallel_loop3A_211, %parallel_loop3A_212] {strides = array<i32>} : memref<200x64xf32, #tpu.memory_space<vmem>>, vector<1x16xf32>,
        %parallel_loop3A_214 = vector.shape_cast %parallel_loop3A_213 : vector<1x16xf32> to vector<16xf32>
        %parallel_loop3A_215 = arith.constant 8.000000e+00 : f32
        %parallel_loop3A_216 = vector.broadcast %parallel_loop3A_215 : f32 to vector<16xf32>
        %parallel_loop3A_217 = arith.mulf %parallel_loop3A_214, %parallel_loop3A_216 : vector<16xf32>
        %parallel_loop3A_218 = arith.index_cast %parallel_loop3A_198 : i32 to index
        %parallel_loop3A_219 = arith.constant 16 : index
        %parallel_loop3A_220 = tpu.vector_load %arg6[%parallel_loop3A_218, %parallel_loop3A_219] {strides = array<i32>} : memref<200x64xf32, #tpu.memory_space<vmem>>, vector<1x16xf32>,
        %parallel_loop3A_221 = vector.shape_cast %parallel_loop3A_220 : vector<1x16xf32> to vector<16xf32>
        %parallel_loop3A_222 = vector.shape_cast %parallel_loop3A_217 : vector<16xf32> to vector<1x16xf32>
        tpu.vector_store %arg6[%parallel_loop3A_218, %parallel_loop3A_219], %parallel_loop3A_222 {strides = array<i32>} : memref<200x64xf32, #tpu.memory_space<vmem>>, vector<1x16xf32>,
        %parallel_loop3A_223 = arith.index_cast %parallel_loop3A_198 : i32 to index
        %parallel_loop3A_224 = arith.constant 32 : index
        %parallel_loop3A_225 = tpu.vector_load %arg6[%parallel_loop3A_223, %parallel_loop3A_224] {strides = array<i32>} : memref<200x64xf32, #tpu.memory_space<vmem>>, vector<1x16xf32>,
        %parallel_loop3A_226 = vector.shape_cast %parallel_loop3A_225 : vector<1x16xf32> to vector<16xf32>
        %parallel_loop3A_227 = arith.constant 8.000000e+00 : f32
        %parallel_loop3A_228 = vector.broadcast %parallel_loop3A_227 : f32 to vector<16xf32>
        %parallel_loop3A_229 = arith.mulf %parallel_loop3A_226, %parallel_loop3A_228 : vector<16xf32>
        %parallel_loop3A_230 = arith.index_cast %parallel_loop3A_198 : i32 to index
        %parallel_loop3A_231 = arith.constant 32 : index
        %parallel_loop3A_232 = tpu.vector_load %arg6[%parallel_loop3A_230, %parallel_loop3A_231] {strides = array<i32>} : memref<200x64xf32, #tpu.memory_space<vmem>>, vector<1x16xf32>,
        %parallel_loop3A_233 = vector.shape_cast %parallel_loop3A_232 : vector<1x16xf32> to vector<16xf32>
        %parallel_loop3A_234 = vector.shape_cast %parallel_loop3A_229 : vector<16xf32> to vector<1x16xf32>
        tpu.vector_store %arg6[%parallel_loop3A_230, %parallel_loop3A_231], %parallel_loop3A_234 {strides = array<i32>} : memref<200x64xf32, #tpu.memory_space<vmem>>, vector<1x16xf32>,
        %parallel_loop3A_235 = arith.index_cast %parallel_loop3A_198 : i32 to index
        %parallel_loop3A_236 = arith.constant 48 : index
        %parallel_loop3A_237 = tpu.vector_load %arg6[%parallel_loop3A_235, %parallel_loop3A_236] {strides = array<i32>} : memref<200x64xf32, #tpu.memory_space<vmem>>, vector<1x16xf32>,
        %parallel_loop3A_238 = vector.shape_cast %parallel_loop3A_237 : vector<1x16xf32> to vector<16xf32>
        %parallel_loop3A_239 = arith.constant 8.000000e+00 : f32
        %parallel_loop3A_240 = vector.broadcast %parallel_loop3A_239 : f32 to vector<16xf32>
        %parallel_loop3A_241 = arith.mulf %parallel_loop3A_238, %parallel_loop3A_240 : vector<16xf32>
        %parallel_loop3A_242 = arith.index_cast %parallel_loop3A_198 : i32 to index
        %parallel_loop3A_243 = arith.constant 48 : index
        %parallel_loop3A_244 = tpu.vector_load %arg6[%parallel_loop3A_242, %parallel_loop3A_243] {strides = array<i32>} : memref<200x64xf32, #tpu.memory_space<vmem>>, vector<1x16xf32>,
        %parallel_loop3A_245 = vector.shape_cast %parallel_loop3A_244 : vector<1x16xf32> to vector<16xf32>
        %parallel_loop3A_246 = vector.shape_cast %parallel_loop3A_241 : vector<16xf32> to vector<1x16xf32>
        tpu.vector_store %arg6[%parallel_loop3A_242, %parallel_loop3A_243], %parallel_loop3A_246 {strides = array<i32>} : memref<200x64xf32, #tpu.memory_space<vmem>>, vector<1x16xf32>,
      } {sc.loop_unroll_factor = 8 : i64, sc.parallel_access}
      %add3A_101 = arith.addi %mul3A_2, %add3A_88 : i32
      %dma_start3A_102 = arith.constant 0 : i32
      %dma_start3A_103 = arith.constant 0 : i32
      %dma_start3A_104 = tpu.memref_slice %arg4[%add3A_101, %dma_start3A_102, %dma_start3A_103] : memref<4096x200x128xf32, #tpu.memory_space<hbm>> -> memref<1x200x64xf32, #tpu.memory_space<hbm>>
      %dma_start3A_105 = tpu.memref_squeeze %dma_start3A_104 : memref<1x200x64xf32, #tpu.memory_space<hbm>> -> memref<200x64xf32, #tpu.memory_space<hbm>>
      %dma_start3A_106 = arith.constant 0 : i32
      %dma_start3A_107 = arith.constant 0 : i32
      %dma_start3A_108 = tpu.memref_slice %arg4[%add3A_101, %dma_start3A_106, %dma_start3A_107] : memref<4096x200x128xf32, #tpu.memory_space<hbm>> -> memref<1x200x64xf32, #tpu.memory_space<hbm>>
      %dma_start3A_109 = tpu.memref_squeeze %dma_start3A_108 : memref<1x200x64xf32, #tpu.memory_space<hbm>> -> memref<200x64xf32, #tpu.memory_space<hbm>>
      tpu.enqueue_dma source(%arg6 : memref<200x64xf32, #tpu.memory_space<vmem>>) target(%dma_start3A_109 : memref<200x64xf32, #tpu.memory_space<hbm>>) target_semaphore(%arg14 : memref<!tpu.dma_semaphore, #tpu.memory_space<semaphore_mem>>)
      %mul3A_110 = arith.constant 4 : i32
      %mul3A_111 = arith.muli %scan3A_83, %mul3A_110 : i32
      %add3A_112 = arith.constant 1 : i32
      %add3A_113 = arith.addi %mul3A_111, %add3A_112 : i32
      %add3A_114 = arith.constant 2 : i32
      %add3A_115 = arith.addi %add3A_113, %add3A_114 : i32
      %lt3A_116 = arith.constant 128 : i32
      %lt3A_117 = arith.cmpi slt, %add3A_115, %lt3A_116 : i32
      %convert_element_type3A_118 = arith.extui %lt3A_117 : i1 to i32
      %cond3A_119 = arith.constant 0 : i32
      %cond3A_120 = arith.cmpi ne, %convert_element_type3A_118, %cond3A_119 : i32
      scf.if %cond3A_120 {
        %ge3A = arith.constant 4 : i32
        %ge3A_198 = arith.cmpi sge, %add3A_115, %ge3A : i32
        %convert_element_type3A_199 = arith.extui %ge3A_198 : i1 to i32
        %cond3A_200 = arith.constant 0 : i32
        %cond3A_201 = arith.cmpi ne, %convert_element_type3A_199, %cond3A_200 : i32
        scf.if %cond3A_201 {
          %dma_wait3A_220 = arith.constant 0 : i32
          %dma_wait3A_221 = arith.constant 0 : i32
          %dma_wait3A_222 = arith.constant 0 : i32
          %dma_wait3A_223 = tpu.memref_slice %arg4[%dma_wait3A_220, %dma_wait3A_221, %dma_wait3A_222] : memref<4096x200x128xf32, #tpu.memory_space<hbm>> -> memref<1x200x64xf32, #tpu.memory_space<hbm>>
          %dma_wait3A_224 = tpu.memref_squeeze %dma_wait3A_223 : memref<1x200x64xf32, #tpu.memory_space<hbm>> -> memref<200x64xf32, #tpu.memory_space<hbm>>
          %dma_wait3A_225 = arith.constant 0 : i32
          %dma_wait3A_226 = arith.constant 0 : i32
          %dma_wait3A_227 = tpu.memref_slice %arg4[%dma_wait3A_220, %dma_wait3A_225, %dma_wait3A_226] : memref<4096x200x128xf32, #tpu.memory_space<hbm>> -> memref<1x200x64xf32, #tpu.memory_space<hbm>>
          %dma_wait3A_228 = tpu.memref_squeeze %dma_wait3A_227 : memref<1x200x64xf32, #tpu.memory_space<hbm>> -> memref<200x64xf32, #tpu.memory_space<hbm>>
          tpu.wait_dma2 semaphore(%arg17 : memref<!tpu.dma_semaphore, #tpu.memory_space<semaphore_mem>>) src(%arg9 : memref<200x64xf32, #tpu.memory_space<vmem>>) dst(%dma_wait3A_228 : memref<200x64xf32, #tpu.memory_space<hbm>>)
        } else {
        }
        %dma_start3A_202 = arith.constant 0 : i32
        %dma_start3A_203 = arith.constant 0 : i32
        %dma_start3A_204 = tpu.memref_slice %arg9[%dma_start3A_202, %dma_start3A_203] : memref<200x64xf32, #tpu.memory_space<vmem>> -> memref<128x64xf32, #tpu.memory_space<vmem>>
        %dma_start3A_205 = arith.constant 0 : i32
        %dma_start3A_206 = tpu.memref_slice %arg5[%add3A_115, %dma_start3A_205] : memref<128x200xi32, #tpu.memory_space<vmem>> -> memref<1x128xi32, #tpu.memory_space<vmem>>
        %dma_start3A_207 = tpu.memref_squeeze %dma_start3A_206 : memref<1x128xi32, #tpu.memory_space<vmem>> -> memref<128xi32, #tpu.memory_space<vmem>>
        %dma_start3A_208 = arith.constant 0 : i32
        %dma_start3A_209 = arith.constant 0 : i32
        %dma_start3A_210 = tpu.memref_slice %arg2[%dma_start3A_208, %dma_start3A_209] : memref<1000000x64xf32, #tpu.memory_space<hbm>> -> memref<1000000x64xf32, #tpu.memory_space<hbm>>
        tpu.enqueue_indirect_dma source(%dma_start3A_210 : memref<1000000x64xf32, #tpu.memory_space<hbm>>) target(%dma_start3A_204 : memref<128x64xf32, #tpu.memory_space<vmem>>) offsets(%dma_start3A_207 : memref<128xi32, #tpu.memory_space<vmem>>) semaphore(%arg13 : memref<!tpu.dma_semaphore, #tpu.memory_space<semaphore_mem>>)
        %dma_start3A_211 = arith.constant 128 : i32
        %dma_start3A_212 = arith.constant 0 : i32
        %dma_start3A_213 = tpu.memref_slice %arg9[%dma_start3A_211, %dma_start3A_212] : memref<200x64xf32, #tpu.memory_space<vmem>> -> memref<72x64xf32, #tpu.memory_space<vmem>>
        %dma_start3A_214 = arith.constant 128 : i32
        %dma_start3A_215 = tpu.memref_slice %arg5[%add3A_115, %dma_start3A_214] : memref<128x200xi32, #tpu.memory_space<vmem>> -> memref<1x72xi32, #tpu.memory_space<vmem>>
        %dma_start3A_216 = tpu.memref_squeeze %dma_start3A_215 : memref<1x72xi32, #tpu.memory_space<vmem>> -> memref<72xi32, #tpu.memory_space<vmem>>
        %dma_start3A_217 = arith.constant 0 : i32
        %dma_start3A_218 = arith.constant 0 : i32
        %dma_start3A_219 = tpu.memref_slice %arg2[%dma_start3A_217, %dma_start3A_218] : memref<1000000x64xf32, #tpu.memory_space<hbm>> -> memref<1000000x64xf32, #tpu.memory_space<hbm>>
        tpu.enqueue_indirect_dma source(%dma_start3A_219 : memref<1000000x64xf32, #tpu.memory_space<hbm>>) target(%dma_start3A_213 : memref<72x64xf32, #tpu.memory_space<vmem>>) offsets(%dma_start3A_216 : memref<72xi32, #tpu.memory_space<vmem>>) semaphore(%arg13 : memref<!tpu.dma_semaphore, #tpu.memory_space<semaphore_mem>>)
      } else {
      }
      %dma_wait3A_121 = arith.constant 0 : i32
      %dma_wait3A_122 = arith.constant 0 : i32
      %dma_wait3A_123 = tpu.memref_slice %arg2[%dma_wait3A_121, %dma_wait3A_122] : memref<1000000x64xf32, #tpu.memory_space<hbm>> -> memref<200x64xf32, #tpu.memory_space<hbm>>
      %dma_wait3A_124 = arith.constant 0 : i32
      %dma_wait3A_125 = arith.constant 0 : i32
      %dma_wait3A_126 = tpu.memref_slice %arg2[%dma_wait3A_124, %dma_wait3A_125] : memref<1000000x64xf32, #tpu.memory_space<hbm>> -> memref<200x64xf32, #tpu.memory_space<hbm>>
      tpu.wait_dma2 semaphore(%arg11 : memref<!tpu.dma_semaphore, #tpu.memory_space<semaphore_mem>>) src(%dma_wait3A_126 : memref<200x64xf32, #tpu.memory_space<hbm>>) dst(%arg7 : memref<200x64xf32, #tpu.memory_space<vmem>>)
      %parallel_loop3A_127 = arith.constant 0 : i32
      %parallel_loop3A_128 = arith.constant 200 : i32
      %parallel_loop3A_129 = arith.constant 1 : i32
      scf.for %parallel_loop3A_198 = %parallel_loop3A_127 to %parallel_loop3A_128 step %parallel_loop3A_129  : i32 {
        %parallel_loop3A_199 = arith.index_cast %parallel_loop3A_198 : i32 to index
        %parallel_loop3A_200 = arith.constant 0 : index
        %parallel_loop3A_201 = tpu.vector_load %arg7[%parallel_loop3A_199, %parallel_loop3A_200] {strides = array<i32>} : memref<200x64xf32, #tpu.memory_space<vmem>>, vector<1x16xf32>,
        %parallel_loop3A_202 = vector.shape_cast %parallel_loop3A_201 : vector<1x16xf32> to vector<16xf32>
        %parallel_loop3A_203 = arith.constant 8.000000e+00 : f32
        %parallel_loop3A_204 = vector.broadcast %parallel_loop3A_203 : f32 to vector<16xf32>
        %parallel_loop3A_205 = arith.mulf %parallel_loop3A_202, %parallel_loop3A_204 : vector<16xf32>
        %parallel_loop3A_206 = arith.index_cast %parallel_loop3A_198 : i32 to index
        %parallel_loop3A_207 = arith.constant 0 : index
        %parallel_loop3A_208 = tpu.vector_load %arg7[%parallel_loop3A_206, %parallel_loop3A_207] {strides = array<i32>} : memref<200x64xf32, #tpu.memory_space<vmem>>, vector<1x16xf32>,
        %parallel_loop3A_209 = vector.shape_cast %parallel_loop3A_208 : vector<1x16xf32> to vector<16xf32>
        %parallel_loop3A_210 = vector.shape_cast %parallel_loop3A_205 : vector<16xf32> to vector<1x16xf32>
        tpu.vector_store %arg7[%parallel_loop3A_206, %parallel_loop3A_207], %parallel_loop3A_210 {strides = array<i32>} : memref<200x64xf32, #tpu.memory_space<vmem>>, vector<1x16xf32>,
        %parallel_loop3A_211 = arith.index_cast %parallel_loop3A_198 : i32 to index
        %parallel_loop3A_212 = arith.constant 16 : index
        %parallel_loop3A_213 = tpu.vector_load %arg7[%parallel_loop3A_211, %parallel_loop3A_212] {strides = array<i32>} : memref<200x64xf32, #tpu.memory_space<vmem>>, vector<1x16xf32>,
        %parallel_loop3A_214 = vector.shape_cast %parallel_loop3A_213 : vector<1x16xf32> to vector<16xf32>
        %parallel_loop3A_215 = arith.constant 8.000000e+00 : f32
        %parallel_loop3A_216 = vector.broadcast %parallel_loop3A_215 : f32 to vector<16xf32>
        %parallel_loop3A_217 = arith.mulf %parallel_loop3A_214, %parallel_loop3A_216 : vector<16xf32>
        %parallel_loop3A_218 = arith.index_cast %parallel_loop3A_198 : i32 to index
        %parallel_loop3A_219 = arith.constant 16 : index
        %parallel_loop3A_220 = tpu.vector_load %arg7[%parallel_loop3A_218, %parallel_loop3A_219] {strides = array<i32>} : memref<200x64xf32, #tpu.memory_space<vmem>>, vector<1x16xf32>,
        %parallel_loop3A_221 = vector.shape_cast %parallel_loop3A_220 : vector<1x16xf32> to vector<16xf32>
        %parallel_loop3A_222 = vector.shape_cast %parallel_loop3A_217 : vector<16xf32> to vector<1x16xf32>
        tpu.vector_store %arg7[%parallel_loop3A_218, %parallel_loop3A_219], %parallel_loop3A_222 {strides = array<i32>} : memref<200x64xf32, #tpu.memory_space<vmem>>, vector<1x16xf32>,
        %parallel_loop3A_223 = arith.index_cast %parallel_loop3A_198 : i32 to index
        %parallel_loop3A_224 = arith.constant 32 : index
        %parallel_loop3A_225 = tpu.vector_load %arg7[%parallel_loop3A_223, %parallel_loop3A_224] {strides = array<i32>} : memref<200x64xf32, #tpu.memory_space<vmem>>, vector<1x16xf32>,
        %parallel_loop3A_226 = vector.shape_cast %parallel_loop3A_225 : vector<1x16xf32> to vector<16xf32>
        %parallel_loop3A_227 = arith.constant 8.000000e+00 : f32
        %parallel_loop3A_228 = vector.broadcast %parallel_loop3A_227 : f32 to vector<16xf32>
        %parallel_loop3A_229 = arith.mulf %parallel_loop3A_226, %parallel_loop3A_228 : vector<16xf32>
        %parallel_loop3A_230 = arith.index_cast %parallel_loop3A_198 : i32 to index
        %parallel_loop3A_231 = arith.constant 32 : index
        %parallel_loop3A_232 = tpu.vector_load %arg7[%parallel_loop3A_230, %parallel_loop3A_231] {strides = array<i32>} : memref<200x64xf32, #tpu.memory_space<vmem>>, vector<1x16xf32>,
        %parallel_loop3A_233 = vector.shape_cast %parallel_loop3A_232 : vector<1x16xf32> to vector<16xf32>
        %parallel_loop3A_234 = vector.shape_cast %parallel_loop3A_229 : vector<16xf32> to vector<1x16xf32>
        tpu.vector_store %arg7[%parallel_loop3A_230, %parallel_loop3A_231], %parallel_loop3A_234 {strides = array<i32>} : memref<200x64xf32, #tpu.memory_space<vmem>>, vector<1x16xf32>,
        %parallel_loop3A_235 = arith.index_cast %parallel_loop3A_198 : i32 to index
        %parallel_loop3A_236 = arith.constant 48 : index
        %parallel_loop3A_237 = tpu.vector_load %arg7[%parallel_loop3A_235, %parallel_loop3A_236] {strides = array<i32>} : memref<200x64xf32, #tpu.memory_space<vmem>>, vector<1x16xf32>,
        %parallel_loop3A_238 = vector.shape_cast %parallel_loop3A_237 : vector<1x16xf32> to vector<16xf32>
        %parallel_loop3A_239 = arith.constant 8.000000e+00 : f32
        %parallel_loop3A_240 = vector.broadcast %parallel_loop3A_239 : f32 to vector<16xf32>
        %parallel_loop3A_241 = arith.mulf %parallel_loop3A_238, %parallel_loop3A_240 : vector<16xf32>
        %parallel_loop3A_242 = arith.index_cast %parallel_loop3A_198 : i32 to index
        %parallel_loop3A_243 = arith.constant 48 : index
        %parallel_loop3A_244 = tpu.vector_load %arg7[%parallel_loop3A_242, %parallel_loop3A_243] {strides = array<i32>} : memref<200x64xf32, #tpu.memory_space<vmem>>, vector<1x16xf32>,
        %parallel_loop3A_245 = vector.shape_cast %parallel_loop3A_244 : vector<1x16xf32> to vector<16xf32>
        %parallel_loop3A_246 = vector.shape_cast %parallel_loop3A_241 : vector<16xf32> to vector<1x16xf32>
        tpu.vector_store %arg7[%parallel_loop3A_242, %parallel_loop3A_243], %parallel_loop3A_246 {strides = array<i32>} : memref<200x64xf32, #tpu.memory_space<vmem>>, vector<1x16xf32>,
      } {sc.loop_unroll_factor = 8 : i64, sc.parallel_access}
      %add3A_130 = arith.addi %mul3A_2, %add3A_113 : i32
      %dma_start3A_131 = arith.constant 0 : i32
      %dma_start3A_132 = arith.constant 0 : i32
      %dma_start3A_133 = tpu.memref_slice %arg4[%add3A_130, %dma_start3A_131, %dma_start3A_132] : memref<4096x200x128xf32, #tpu.memory_space<hbm>> -> memref<1x200x64xf32, #tpu.memory_space<hbm>>
      %dma_start3A_134 = tpu.memref_squeeze %dma_start3A_133 : memref<1x200x64xf32, #tpu.memory_space<hbm>> -> memref<200x64xf32, #tpu.memory_space<hbm>>
      %dma_start3A_135 = arith.constant 0 : i32
      %dma_start3A_136 = arith.constant 0 : i32
      %dma_start3A_137 = tpu.memref_slice %arg4[%add3A_130, %dma_start3A_135, %dma_start3A_136] : memref<4096x200x128xf32, #tpu.memory_space<hbm>> -> memref<1x200x64xf32, #tpu.memory_space<hbm>>
      %dma_start3A_138 = tpu.memref_squeeze %dma_start3A_137 : memref<1x200x64xf32, #tpu.memory_space<hbm>> -> memref<200x64xf32, #tpu.memory_space<hbm>>
      tpu.enqueue_dma source(%arg7 : memref<200x64xf32, #tpu.memory_space<vmem>>) target(%dma_start3A_138 : memref<200x64xf32, #tpu.memory_space<hbm>>) target_semaphore(%arg15 : memref<!tpu.dma_semaphore, #tpu.memory_space<semaphore_mem>>)
      %mul3A_139 = arith.constant 4 : i32
      %mul3A_140 = arith.muli %scan3A_83, %mul3A_139 : i32
      %add3A_141 = arith.constant 2 : i32
      %add3A_142 = arith.addi %mul3A_140, %add3A_141 : i32
      %add3A_143 = arith.constant 2 : i32
      %add3A_144 = arith.addi %add3A_142, %add3A_143 : i32
      %lt3A_145 = arith.constant 128 : i32
      %lt3A_146 = arith.cmpi slt, %add3A_144, %lt3A_145 : i32
      %convert_element_type3A_147 = arith.extui %lt3A_146 : i1 to i32
      %cond3A_148 = arith.constant 0 : i32
      %cond3A_149 = arith.cmpi ne, %convert_element_type3A_147, %cond3A_148 : i32
      scf.if %cond3A_149 {
        %ge3A = arith.constant 4 : i32
        %ge3A_198 = arith.cmpi sge, %add3A_144, %ge3A : i32
        %convert_element_type3A_199 = arith.extui %ge3A_198 : i1 to i32
        %cond3A_200 = arith.constant 0 : i32
        %cond3A_201 = arith.cmpi ne, %convert_element_type3A_199, %cond3A_200 : i32
        scf.if %cond3A_201 {
          %dma_wait3A_220 = arith.constant 0 : i32
          %dma_wait3A_221 = arith.constant 0 : i32
          %dma_wait3A_222 = arith.constant 0 : i32
          %dma_wait3A_223 = tpu.memref_slice %arg4[%dma_wait3A_220, %dma_wait3A_221, %dma_wait3A_222] : memref<4096x200x128xf32, #tpu.memory_space<hbm>> -> memref<1x200x64xf32, #tpu.memory_space<hbm>>
          %dma_wait3A_224 = tpu.memref_squeeze %dma_wait3A_223 : memref<1x200x64xf32, #tpu.memory_space<hbm>> -> memref<200x64xf32, #tpu.memory_space<hbm>>
          %dma_wait3A_225 = arith.constant 0 : i32
          %dma_wait3A_226 = arith.constant 0 : i32
          %dma_wait3A_227 = tpu.memref_slice %arg4[%dma_wait3A_220, %dma_wait3A_225, %dma_wait3A_226] : memref<4096x200x128xf32, #tpu.memory_space<hbm>> -> memref<1x200x64xf32, #tpu.memory_space<hbm>>
          %dma_wait3A_228 = tpu.memref_squeeze %dma_wait3A_227 : memref<1x200x64xf32, #tpu.memory_space<hbm>> -> memref<200x64xf32, #tpu.memory_space<hbm>>
          tpu.wait_dma2 semaphore(%arg14 : memref<!tpu.dma_semaphore, #tpu.memory_space<semaphore_mem>>) src(%arg6 : memref<200x64xf32, #tpu.memory_space<vmem>>) dst(%dma_wait3A_228 : memref<200x64xf32, #tpu.memory_space<hbm>>)
        } else {
        }
        %dma_start3A_202 = arith.constant 0 : i32
        %dma_start3A_203 = arith.constant 0 : i32
        %dma_start3A_204 = tpu.memref_slice %arg6[%dma_start3A_202, %dma_start3A_203] : memref<200x64xf32, #tpu.memory_space<vmem>> -> memref<128x64xf32, #tpu.memory_space<vmem>>
        %dma_start3A_205 = arith.constant 0 : i32
        %dma_start3A_206 = tpu.memref_slice %arg5[%add3A_144, %dma_start3A_205] : memref<128x200xi32, #tpu.memory_space<vmem>> -> memref<1x128xi32, #tpu.memory_space<vmem>>
        %dma_start3A_207 = tpu.memref_squeeze %dma_start3A_206 : memref<1x128xi32, #tpu.memory_space<vmem>> -> memref<128xi32, #tpu.memory_space<vmem>>
        %dma_start3A_208 = arith.constant 0 : i32
        %dma_start3A_209 = arith.constant 0 : i32
        %dma_start3A_210 = tpu.memref_slice %arg2[%dma_start3A_208, %dma_start3A_209] : memref<1000000x64xf32, #tpu.memory_space<hbm>> -> memref<1000000x64xf32, #tpu.memory_space<hbm>>
        tpu.enqueue_indirect_dma source(%dma_start3A_210 : memref<1000000x64xf32, #tpu.memory_space<hbm>>) target(%dma_start3A_204 : memref<128x64xf32, #tpu.memory_space<vmem>>) offsets(%dma_start3A_207 : memref<128xi32, #tpu.memory_space<vmem>>) semaphore(%arg10 : memref<!tpu.dma_semaphore, #tpu.memory_space<semaphore_mem>>)
        %dma_start3A_211 = arith.constant 128 : i32
        %dma_start3A_212 = arith.constant 0 : i32
        %dma_start3A_213 = tpu.memref_slice %arg6[%dma_start3A_211, %dma_start3A_212] : memref<200x64xf32, #tpu.memory_space<vmem>> -> memref<72x64xf32, #tpu.memory_space<vmem>>
        %dma_start3A_214 = arith.constant 128 : i32
        %dma_start3A_215 = tpu.memref_slice %arg5[%add3A_144, %dma_start3A_214] : memref<128x200xi32, #tpu.memory_space<vmem>> -> memref<1x72xi32, #tpu.memory_space<vmem>>
        %dma_start3A_216 = tpu.memref_squeeze %dma_start3A_215 : memref<1x72xi32, #tpu.memory_space<vmem>> -> memref<72xi32, #tpu.memory_space<vmem>>
        %dma_start3A_217 = arith.constant 0 : i32
        %dma_start3A_218 = arith.constant 0 : i32
        %dma_start3A_219 = tpu.memref_slice %arg2[%dma_start3A_217, %dma_start3A_218] : memref<1000000x64xf32, #tpu.memory_space<hbm>> -> memref<1000000x64xf32, #tpu.memory_space<hbm>>
        tpu.enqueue_indirect_dma source(%dma_start3A_219 : memref<1000000x64xf32, #tpu.memory_space<hbm>>) target(%dma_start3A_213 : memref<72x64xf32, #tpu.memory_space<vmem>>) offsets(%dma_start3A_216 : memref<72xi32, #tpu.memory_space<vmem>>) semaphore(%arg10 : memref<!tpu.dma_semaphore, #tpu.memory_space<semaphore_mem>>)
      } else {
      }
      %dma_wait3A_150 = arith.constant 0 : i32
      %dma_wait3A_151 = arith.constant 0 : i32
      %dma_wait3A_152 = tpu.memref_slice %arg2[%dma_wait3A_150, %dma_wait3A_151] : memref<1000000x64xf32, #tpu.memory_space<hbm>> -> memref<200x64xf32, #tpu.memory_space<hbm>>
      %dma_wait3A_153 = arith.constant 0 : i32
      %dma_wait3A_154 = arith.constant 0 : i32
      %dma_wait3A_155 = tpu.memref_slice %arg2[%dma_wait3A_153, %dma_wait3A_154] : memref<1000000x64xf32, #tpu.memory_space<hbm>> -> memref<200x64xf32, #tpu.memory_space<hbm>>
      tpu.wait_dma2 semaphore(%arg12 : memref<!tpu.dma_semaphore, #tpu.memory_space<semaphore_mem>>) src(%dma_wait3A_155 : memref<200x64xf32, #tpu.memory_space<hbm>>) dst(%arg8 : memref<200x64xf32, #tpu.memory_space<vmem>>)
      %parallel_loop3A_156 = arith.constant 0 : i32
      %parallel_loop3A_157 = arith.constant 200 : i32
      %parallel_loop3A_158 = arith.constant 1 : i32
      scf.for %parallel_loop3A_198 = %parallel_loop3A_156 to %parallel_loop3A_157 step %parallel_loop3A_158  : i32 {
        %parallel_loop3A_199 = arith.index_cast %parallel_loop3A_198 : i32 to index
        %parallel_loop3A_200 = arith.constant 0 : index
        %parallel_loop3A_201 = tpu.vector_load %arg8[%parallel_loop3A_199, %parallel_loop3A_200] {strides = array<i32>} : memref<200x64xf32, #tpu.memory_space<vmem>>, vector<1x16xf32>,
        %parallel_loop3A_202 = vector.shape_cast %parallel_loop3A_201 : vector<1x16xf32> to vector<16xf32>
        %parallel_loop3A_203 = arith.constant 8.000000e+00 : f32
        %parallel_loop3A_204 = vector.broadcast %parallel_loop3A_203 : f32 to vector<16xf32>
        %parallel_loop3A_205 = arith.mulf %parallel_loop3A_202, %parallel_loop3A_204 : vector<16xf32>
        %parallel_loop3A_206 = arith.index_cast %parallel_loop3A_198 : i32 to index
        %parallel_loop3A_207 = arith.constant 0 : index
        %parallel_loop3A_208 = tpu.vector_load %arg8[%parallel_loop3A_206, %parallel_loop3A_207] {strides = array<i32>} : memref<200x64xf32, #tpu.memory_space<vmem>>, vector<1x16xf32>,
        %parallel_loop3A_209 = vector.shape_cast %parallel_loop3A_208 : vector<1x16xf32> to vector<16xf32>
        %parallel_loop3A_210 = vector.shape_cast %parallel_loop3A_205 : vector<16xf32> to vector<1x16xf32>
        tpu.vector_store %arg8[%parallel_loop3A_206, %parallel_loop3A_207], %parallel_loop3A_210 {strides = array<i32>} : memref<200x64xf32, #tpu.memory_space<vmem>>, vector<1x16xf32>,
        %parallel_loop3A_211 = arith.index_cast %parallel_loop3A_198 : i32 to index
        %parallel_loop3A_212 = arith.constant 16 : index
        %parallel_loop3A_213 = tpu.vector_load %arg8[%parallel_loop3A_211, %parallel_loop3A_212] {strides = array<i32>} : memref<200x64xf32, #tpu.memory_space<vmem>>, vector<1x16xf32>,
        %parallel_loop3A_214 = vector.shape_cast %parallel_loop3A_213 : vector<1x16xf32> to vector<16xf32>
        %parallel_loop3A_215 = arith.constant 8.000000e+00 : f32
        %parallel_loop3A_216 = vector.broadcast %parallel_loop3A_215 : f32 to vector<16xf32>
        %parallel_loop3A_217 = arith.mulf %parallel_loop3A_214, %parallel_loop3A_216 : vector<16xf32>
        %parallel_loop3A_218 = arith.index_cast %parallel_loop3A_198 : i32 to index
        %parallel_loop3A_219 = arith.constant 16 : index
        %parallel_loop3A_220 = tpu.vector_load %arg8[%parallel_loop3A_218, %parallel_loop3A_219] {strides = array<i32>} : memref<200x64xf32, #tpu.memory_space<vmem>>, vector<1x16xf32>,
        %parallel_loop3A_221 = vector.shape_cast %parallel_loop3A_220 : vector<1x16xf32> to vector<16xf32>
        %parallel_loop3A_222 = vector.shape_cast %parallel_loop3A_217 : vector<16xf32> to vector<1x16xf32>
        tpu.vector_store %arg8[%parallel_loop3A_218, %parallel_loop3A_219], %parallel_loop3A_222 {strides = array<i32>} : memref<200x64xf32, #tpu.memory_space<vmem>>, vector<1x16xf32>,
        %parallel_loop3A_223 = arith.index_cast %parallel_loop3A_198 : i32 to index
        %parallel_loop3A_224 = arith.constant 32 : index
        %parallel_loop3A_225 = tpu.vector_load %arg8[%parallel_loop3A_223, %parallel_loop3A_224] {strides = array<i32>} : memref<200x64xf32, #tpu.memory_space<vmem>>, vector<1x16xf32>,
        %parallel_loop3A_226 = vector.shape_cast %parallel_loop3A_225 : vector<1x16xf32> to vector<16xf32>
        %parallel_loop3A_227 = arith.constant 8.000000e+00 : f32
        %parallel_loop3A_228 = vector.broadcast %parallel_loop3A_227 : f32 to vector<16xf32>
        %parallel_loop3A_229 = arith.mulf %parallel_loop3A_226, %parallel_loop3A_228 : vector<16xf32>
        %parallel_loop3A_230 = arith.index_cast %parallel_loop3A_198 : i32 to index
        %parallel_loop3A_231 = arith.constant 32 : index
        %parallel_loop3A_232 = tpu.vector_load %arg8[%parallel_loop3A_230, %parallel_loop3A_231] {strides = array<i32>} : memref<200x64xf32, #tpu.memory_space<vmem>>, vector<1x16xf32>,
        %parallel_loop3A_233 = vector.shape_cast %parallel_loop3A_232 : vector<1x16xf32> to vector<16xf32>
        %parallel_loop3A_234 = vector.shape_cast %parallel_loop3A_229 : vector<16xf32> to vector<1x16xf32>
        tpu.vector_store %arg8[%parallel_loop3A_230, %parallel_loop3A_231], %parallel_loop3A_234 {strides = array<i32>} : memref<200x64xf32, #tpu.memory_space<vmem>>, vector<1x16xf32>,
        %parallel_loop3A_235 = arith.index_cast %parallel_loop3A_198 : i32 to index
        %parallel_loop3A_236 = arith.constant 48 : index
        %parallel_loop3A_237 = tpu.vector_load %arg8[%parallel_loop3A_235, %parallel_loop3A_236] {strides = array<i32>} : memref<200x64xf32, #tpu.memory_space<vmem>>, vector<1x16xf32>,
        %parallel_loop3A_238 = vector.shape_cast %parallel_loop3A_237 : vector<1x16xf32> to vector<16xf32>
        %parallel_loop3A_239 = arith.constant 8.000000e+00 : f32
        %parallel_loop3A_240 = vector.broadcast %parallel_loop3A_239 : f32 to vector<16xf32>
        %parallel_loop3A_241 = arith.mulf %parallel_loop3A_238, %parallel_loop3A_240 : vector<16xf32>
        %parallel_loop3A_242 = arith.index_cast %parallel_loop3A_198 : i32 to index
        %parallel_loop3A_243 = arith.constant 48 : index
        %parallel_loop3A_244 = tpu.vector_load %arg8[%parallel_loop3A_242, %parallel_loop3A_243] {strides = array<i32>} : memref<200x64xf32, #tpu.memory_space<vmem>>, vector<1x16xf32>,
        %parallel_loop3A_245 = vector.shape_cast %parallel_loop3A_244 : vector<1x16xf32> to vector<16xf32>
        %parallel_loop3A_246 = vector.shape_cast %parallel_loop3A_241 : vector<16xf32> to vector<1x16xf32>
        tpu.vector_store %arg8[%parallel_loop3A_242, %parallel_loop3A_243], %parallel_loop3A_246 {strides = array<i32>} : memref<200x64xf32, #tpu.memory_space<vmem>>, vector<1x16xf32>,
      } {sc.loop_unroll_factor = 8 : i64, sc.parallel_access}
      %add3A_159 = arith.addi %mul3A_2, %add3A_142 : i32
      %dma_start3A_160 = arith.constant 0 : i32
      %dma_start3A_161 = arith.constant 0 : i32
      %dma_start3A_162 = tpu.memref_slice %arg4[%add3A_159, %dma_start3A_160, %dma_start3A_161] : memref<4096x200x128xf32, #tpu.memory_space<hbm>> -> memref<1x200x64xf32, #tpu.memory_space<hbm>>
      %dma_start3A_163 = tpu.memref_squeeze %dma_start3A_162 : memref<1x200x64xf32, #tpu.memory_space<hbm>> -> memref<200x64xf32, #tpu.memory_space<hbm>>
      %dma_start3A_164 = arith.constant 0 : i32
      %dma_start3A_165 = arith.constant 0 : i32
      %dma_start3A_166 = tpu.memref_slice %arg4[%add3A_159, %dma_start3A_164, %dma_start3A_165] : memref<4096x200x128xf32, #tpu.memory_space<hbm>> -> memref<1x200x64xf32, #tpu.memory_space<hbm>>
      %dma_start3A_167 = tpu.memref_squeeze %dma_start3A_166 : memref<1x200x64xf32, #tpu.memory_space<hbm>> -> memref<200x64xf32, #tpu.memory_space<hbm>>
      tpu.enqueue_dma source(%arg8 : memref<200x64xf32, #tpu.memory_space<vmem>>) target(%dma_start3A_167 : memref<200x64xf32, #tpu.memory_space<hbm>>) target_semaphore(%arg16 : memref<!tpu.dma_semaphore, #tpu.memory_space<semaphore_mem>>)
      %mul3A_168 = arith.constant 4 : i32
      %mul3A_169 = arith.muli %scan3A_83, %mul3A_168 : i32
      %add3A_170 = arith.constant 3 : i32
      %add3A_171 = arith.addi %mul3A_169, %add3A_170 : i32
      %add3A_172 = arith.constant 2 : i32
      %add3A_173 = arith.addi %add3A_171, %add3A_172 : i32
      %lt3A_174 = arith.constant 128 : i32
      %lt3A_175 = arith.cmpi slt, %add3A_173, %lt3A_174 : i32
      %convert_element_type3A_176 = arith.extui %lt3A_175 : i1 to i32
      %cond3A_177 = arith.constant 0 : i32
      %cond3A_178 = arith.cmpi ne, %convert_element_type3A_176, %cond3A_177 : i32
      scf.if %cond3A_178 {
        %ge3A = arith.constant 4 : i32
        %ge3A_198 = arith.cmpi sge, %add3A_173, %ge3A : i32
        %convert_element_type3A_199 = arith.extui %ge3A_198 : i1 to i32
        %cond3A_200 = arith.constant 0 : i32
        %cond3A_201 = arith.cmpi ne, %convert_element_type3A_199, %cond3A_200 : i32
        scf.if %cond3A_201 {
          %dma_wait3A_220 = arith.constant 0 : i32
          %dma_wait3A_221 = arith.constant 0 : i32
          %dma_wait3A_222 = arith.constant 0 : i32
          %dma_wait3A_223 = tpu.memref_slice %arg4[%dma_wait3A_220, %dma_wait3A_221, %dma_wait3A_222] : memref<4096x200x128xf32, #tpu.memory_space<hbm>> -> memref<1x200x64xf32, #tpu.memory_space<hbm>>
          %dma_wait3A_224 = tpu.memref_squeeze %dma_wait3A_223 : memref<1x200x64xf32, #tpu.memory_space<hbm>> -> memref<200x64xf32, #tpu.memory_space<hbm>>
          %dma_wait3A_225 = arith.constant 0 : i32
          %dma_wait3A_226 = arith.constant 0 : i32
          %dma_wait3A_227 = tpu.memref_slice %arg4[%dma_wait3A_220, %dma_wait3A_225, %dma_wait3A_226] : memref<4096x200x128xf32, #tpu.memory_space<hbm>> -> memref<1x200x64xf32, #tpu.memory_space<hbm>>
          %dma_wait3A_228 = tpu.memref_squeeze %dma_wait3A_227 : memref<1x200x64xf32, #tpu.memory_space<hbm>> -> memref<200x64xf32, #tpu.memory_space<hbm>>
          tpu.wait_dma2 semaphore(%arg15 : memref<!tpu.dma_semaphore, #tpu.memory_space<semaphore_mem>>) src(%arg7 : memref<200x64xf32, #tpu.memory_space<vmem>>) dst(%dma_wait3A_228 : memref<200x64xf32, #tpu.memory_space<hbm>>)
        } else {
        }
        %dma_start3A_202 = arith.constant 0 : i32
        %dma_start3A_203 = arith.constant 0 : i32
        %dma_start3A_204 = tpu.memref_slice %arg7[%dma_start3A_202, %dma_start3A_203] : memref<200x64xf32, #tpu.memory_space<vmem>> -> memref<128x64xf32, #tpu.memory_space<vmem>>
        %dma_start3A_205 = arith.constant 0 : i32
        %dma_start3A_206 = tpu.memref_slice %arg5[%add3A_173, %dma_start3A_205] : memref<128x200xi32, #tpu.memory_space<vmem>> -> memref<1x128xi32, #tpu.memory_space<vmem>>
        %dma_start3A_207 = tpu.memref_squeeze %dma_start3A_206 : memref<1x128xi32, #tpu.memory_space<vmem>> -> memref<128xi32, #tpu.memory_space<vmem>>
        %dma_start3A_208 = arith.constant 0 : i32
        %dma_start3A_209 = arith.constant 0 : i32
        %dma_start3A_210 = tpu.memref_slice %arg2[%dma_start3A_208, %dma_start3A_209] : memref<1000000x64xf32, #tpu.memory_space<hbm>> -> memref<1000000x64xf32, #tpu.memory_space<hbm>>
        tpu.enqueue_indirect_dma source(%dma_start3A_210 : memref<1000000x64xf32, #tpu.memory_space<hbm>>) target(%dma_start3A_204 : memref<128x64xf32, #tpu.memory_space<vmem>>) offsets(%dma_start3A_207 : memref<128xi32, #tpu.memory_space<vmem>>) semaphore(%arg11 : memref<!tpu.dma_semaphore, #tpu.memory_space<semaphore_mem>>)
        %dma_start3A_211 = arith.constant 128 : i32
        %dma_start3A_212 = arith.constant 0 : i32
        %dma_start3A_213 = tpu.memref_slice %arg7[%dma_start3A_211, %dma_start3A_212] : memref<200x64xf32, #tpu.memory_space<vmem>> -> memref<72x64xf32, #tpu.memory_space<vmem>>
        %dma_start3A_214 = arith.constant 128 : i32
        %dma_start3A_215 = tpu.memref_slice %arg5[%add3A_173, %dma_start3A_214] : memref<128x200xi32, #tpu.memory_space<vmem>> -> memref<1x72xi32, #tpu.memory_space<vmem>>
        %dma_start3A_216 = tpu.memref_squeeze %dma_start3A_215 : memref<1x72xi32, #tpu.memory_space<vmem>> -> memref<72xi32, #tpu.memory_space<vmem>>
        %dma_start3A_217 = arith.constant 0 : i32
        %dma_start3A_218 = arith.constant 0 : i32
        %dma_start3A_219 = tpu.memref_slice %arg2[%dma_start3A_217, %dma_start3A_218] : memref<1000000x64xf32, #tpu.memory_space<hbm>> -> memref<1000000x64xf32, #tpu.memory_space<hbm>>
        tpu.enqueue_indirect_dma source(%dma_start3A_219 : memref<1000000x64xf32, #tpu.memory_space<hbm>>) target(%dma_start3A_213 : memref<72x64xf32, #tpu.memory_space<vmem>>) offsets(%dma_start3A_216 : memref<72xi32, #tpu.memory_space<vmem>>) semaphore(%arg11 : memref<!tpu.dma_semaphore, #tpu.memory_space<semaphore_mem>>)
      } else {
      }
      %dma_wait3A_179 = arith.constant 0 : i32
      %dma_wait3A_180 = arith.constant 0 : i32
      %dma_wait3A_181 = tpu.memref_slice %arg2[%dma_wait3A_179, %dma_wait3A_180] : memref<1000000x64xf32, #tpu.memory_space<hbm>> -> memref<200x64xf32, #tpu.memory_space<hbm>>
      %dma_wait3A_182 = arith.constant 0 : i32
      %dma_wait3A_183 = arith.constant 0 : i32
      %dma_wait3A_184 = tpu.memref_slice %arg2[%dma_wait3A_182, %dma_wait3A_183] : memref<1000000x64xf32, #tpu.memory_space<hbm>> -> memref<200x64xf32, #tpu.memory_space<hbm>>
      tpu.wait_dma2 semaphore(%arg13 : memref<!tpu.dma_semaphore, #tpu.memory_space<semaphore_mem>>) src(%dma_wait3A_184 : memref<200x64xf32, #tpu.memory_space<hbm>>) dst(%arg9 : memref<200x64xf32, #tpu.memory_space<vmem>>)
      %parallel_loop3A_185 = arith.constant 0 : i32
      %parallel_loop3A_186 = arith.constant 200 : i32
      %parallel_loop3A_187 = arith.constant 1 : i32
      scf.for %parallel_loop3A_198 = %parallel_loop3A_185 to %parallel_loop3A_186 step %parallel_loop3A_187  : i32 {
        %parallel_loop3A_199 = arith.index_cast %parallel_loop3A_198 : i32 to index
        %parallel_loop3A_200 = arith.constant 0 : index
        %parallel_loop3A_201 = tpu.vector_load %arg9[%parallel_loop3A_199, %parallel_loop3A_200] {strides = array<i32>} : memref<200x64xf32, #tpu.memory_space<vmem>>, vector<1x16xf32>,
        %parallel_loop3A_202 = vector.shape_cast %parallel_loop3A_201 : vector<1x16xf32> to vector<16xf32>
        %parallel_loop3A_203 = arith.constant 8.000000e+00 : f32
        %parallel_loop3A_204 = vector.broadcast %parallel_loop3A_203 : f32 to vector<16xf32>
        %parallel_loop3A_205 = arith.mulf %parallel_loop3A_202, %parallel_loop3A_204 : vector<16xf32>
        %parallel_loop3A_206 = arith.index_cast %parallel_loop3A_198 : i32 to index
        %parallel_loop3A_207 = arith.constant 0 : index
        %parallel_loop3A_208 = tpu.vector_load %arg9[%parallel_loop3A_206, %parallel_loop3A_207] {strides = array<i32>} : memref<200x64xf32, #tpu.memory_space<vmem>>, vector<1x16xf32>,
        %parallel_loop3A_209 = vector.shape_cast %parallel_loop3A_208 : vector<1x16xf32> to vector<16xf32>
        %parallel_loop3A_210 = vector.shape_cast %parallel_loop3A_205 : vector<16xf32> to vector<1x16xf32>
        tpu.vector_store %arg9[%parallel_loop3A_206, %parallel_loop3A_207], %parallel_loop3A_210 {strides = array<i32>} : memref<200x64xf32, #tpu.memory_space<vmem>>, vector<1x16xf32>,
        %parallel_loop3A_211 = arith.index_cast %parallel_loop3A_198 : i32 to index
        %parallel_loop3A_212 = arith.constant 16 : index
        %parallel_loop3A_213 = tpu.vector_load %arg9[%parallel_loop3A_211, %parallel_loop3A_212] {strides = array<i32>} : memref<200x64xf32, #tpu.memory_space<vmem>>, vector<1x16xf32>,
        %parallel_loop3A_214 = vector.shape_cast %parallel_loop3A_213 : vector<1x16xf32> to vector<16xf32>
        %parallel_loop3A_215 = arith.constant 8.000000e+00 : f32
        %parallel_loop3A_216 = vector.broadcast %parallel_loop3A_215 : f32 to vector<16xf32>
        %parallel_loop3A_217 = arith.mulf %parallel_loop3A_214, %parallel_loop3A_216 : vector<16xf32>
        %parallel_loop3A_218 = arith.index_cast %parallel_loop3A_198 : i32 to index
        %parallel_loop3A_219 = arith.constant 16 : index
        %parallel_loop3A_220 = tpu.vector_load %arg9[%parallel_loop3A_218, %parallel_loop3A_219] {strides = array<i32>} : memref<200x64xf32, #tpu.memory_space<vmem>>, vector<1x16xf32>,
        %parallel_loop3A_221 = vector.shape_cast %parallel_loop3A_220 : vector<1x16xf32> to vector<16xf32>
        %parallel_loop3A_222 = vector.shape_cast %parallel_loop3A_217 : vector<16xf32> to vector<1x16xf32>
        tpu.vector_store %arg9[%parallel_loop3A_218, %parallel_loop3A_219], %parallel_loop3A_222 {strides = array<i32>} : memref<200x64xf32, #tpu.memory_space<vmem>>, vector<1x16xf32>,
        %parallel_loop3A_223 = arith.index_cast %parallel_loop3A_198 : i32 to index
        %parallel_loop3A_224 = arith.constant 32 : index
        %parallel_loop3A_225 = tpu.vector_load %arg9[%parallel_loop3A_223, %parallel_loop3A_224] {strides = array<i32>} : memref<200x64xf32, #tpu.memory_space<vmem>>, vector<1x16xf32>,
        %parallel_loop3A_226 = vector.shape_cast %parallel_loop3A_225 : vector<1x16xf32> to vector<16xf32>
        %parallel_loop3A_227 = arith.constant 8.000000e+00 : f32
        %parallel_loop3A_228 = vector.broadcast %parallel_loop3A_227 : f32 to vector<16xf32>
        %parallel_loop3A_229 = arith.mulf %parallel_loop3A_226, %parallel_loop3A_228 : vector<16xf32>
        %parallel_loop3A_230 = arith.index_cast %parallel_loop3A_198 : i32 to index
        %parallel_loop3A_231 = arith.constant 32 : index
        %parallel_loop3A_232 = tpu.vector_load %arg9[%parallel_loop3A_230, %parallel_loop3A_231] {strides = array<i32>} : memref<200x64xf32, #tpu.memory_space<vmem>>, vector<1x16xf32>,
        %parallel_loop3A_233 = vector.shape_cast %parallel_loop3A_232 : vector<1x16xf32> to vector<16xf32>
        %parallel_loop3A_234 = vector.shape_cast %parallel_loop3A_229 : vector<16xf32> to vector<1x16xf32>
        tpu.vector_store %arg9[%parallel_loop3A_230, %parallel_loop3A_231], %parallel_loop3A_234 {strides = array<i32>} : memref<200x64xf32, #tpu.memory_space<vmem>>, vector<1x16xf32>,
        %parallel_loop3A_235 = arith.index_cast %parallel_loop3A_198 : i32 to index
        %parallel_loop3A_236 = arith.constant 48 : index
        %parallel_loop3A_237 = tpu.vector_load %arg9[%parallel_loop3A_235, %parallel_loop3A_236] {strides = array<i32>} : memref<200x64xf32, #tpu.memory_space<vmem>>, vector<1x16xf32>,
        %parallel_loop3A_238 = vector.shape_cast %parallel_loop3A_237 : vector<1x16xf32> to vector<16xf32>
        %parallel_loop3A_239 = arith.constant 8.000000e+00 : f32
        %parallel_loop3A_240 = vector.broadcast %parallel_loop3A_239 : f32 to vector<16xf32>
        %parallel_loop3A_241 = arith.mulf %parallel_loop3A_238, %parallel_loop3A_240 : vector<16xf32>
        %parallel_loop3A_242 = arith.index_cast %parallel_loop3A_198 : i32 to index
        %parallel_loop3A_243 = arith.constant 48 : index
        %parallel_loop3A_244 = tpu.vector_load %arg9[%parallel_loop3A_242, %parallel_loop3A_243] {strides = array<i32>} : memref<200x64xf32, #tpu.memory_space<vmem>>, vector<1x16xf32>,
        %parallel_loop3A_245 = vector.shape_cast %parallel_loop3A_244 : vector<1x16xf32> to vector<16xf32>
        %parallel_loop3A_246 = vector.shape_cast %parallel_loop3A_241 : vector<16xf32> to vector<1x16xf32>
        tpu.vector_store %arg9[%parallel_loop3A_242, %parallel_loop3A_243], %parallel_loop3A_246 {strides = array<i32>} : memref<200x64xf32, #tpu.memory_space<vmem>>, vector<1x16xf32>,
      } {sc.loop_unroll_factor = 8 : i64, sc.parallel_access}
      %add3A_188 = arith.addi %mul3A_2, %add3A_171 : i32
      %dma_start3A_189 = arith.constant 0 : i32
      %dma_start3A_190 = arith.constant 0 : i32
      %dma_start3A_191 = tpu.memref_slice %arg4[%add3A_188, %dma_start3A_189, %dma_start3A_190] : memref<4096x200x128xf32, #tpu.memory_space<hbm>> -> memref<1x200x64xf32, #tpu.memory_space<hbm>>
      %dma_start3A_192 = tpu.memref_squeeze %dma_start3A_191 : memref<1x200x64xf32, #tpu.memory_space<hbm>> -> memref<200x64xf32, #tpu.memory_space<hbm>>
      %dma_start3A_193 = arith.constant 0 : i32
      %dma_start3A_194 = arith.constant 0 : i32
      %dma_start3A_195 = tpu.memref_slice %arg4[%add3A_188, %dma_start3A_193, %dma_start3A_194] : memref<4096x200x128xf32, #tpu.memory_space<hbm>> -> memref<1x200x64xf32, #tpu.memory_space<hbm>>
      %dma_start3A_196 = tpu.memref_squeeze %dma_start3A_195 : memref<1x200x64xf32, #tpu.memory_space<hbm>> -> memref<200x64xf32, #tpu.memory_space<hbm>>
      tpu.enqueue_dma source(%arg9 : memref<200x64xf32, #tpu.memory_space<vmem>>) target(%dma_start3A_196 : memref<200x64xf32, #tpu.memory_space<hbm>>) target_semaphore(%arg17 : memref<!tpu.dma_semaphore, #tpu.memory_space<semaphore_mem>>)
      %scan3A_197 = arith.constant 0 : i32
      scf.yield %scan3A_197 : i32
    }
    %scan3A_47 = arith.constant 32 : i32
    %dma_wait3A = arith.constant 0 : i32
    %dma_wait3A_48 = arith.constant 0 : i32
    %dma_wait3A_49 = arith.constant 0 : i32
    %dma_wait3A_50 = tpu.memref_slice %arg4[%dma_wait3A, %dma_wait3A_48, %dma_wait3A_49] : memref<4096x200x128xf32, #tpu.memory_space<hbm>> -> memref<1x200x64xf32, #tpu.memory_space<hbm>>
    %dma_wait3A_51 = tpu.memref_squeeze %dma_wait3A_50 : memref<1x200x64xf32, #tpu.memory_space<hbm>> -> memref<200x64xf32, #tpu.memory_space<hbm>>
    %dma_wait3A_52 = arith.constant 0 : i32
    %dma_wait3A_53 = arith.constant 0 : i32
    %dma_wait3A_54 = tpu.memref_slice %arg4[%dma_wait3A, %dma_wait3A_52, %dma_wait3A_53] : memref<4096x200x128xf32, #tpu.memory_space<hbm>> -> memref<1x200x64xf32, #tpu.memory_space<hbm>>
    %dma_wait3A_55 = tpu.memref_squeeze %dma_wait3A_54 : memref<1x200x64xf32, #tpu.memory_space<hbm>> -> memref<200x64xf32, #tpu.memory_space<hbm>>
    tpu.wait_dma2 semaphore(%arg14 : memref<!tpu.dma_semaphore, #tpu.memory_space<semaphore_mem>>) src(%arg6 : memref<200x64xf32, #tpu.memory_space<vmem>>) dst(%dma_wait3A_55 : memref<200x64xf32, #tpu.memory_space<hbm>>)
    %dma_wait3A_56 = arith.constant 0 : i32
    %dma_wait3A_57 = arith.constant 0 : i32
    %dma_wait3A_58 = arith.constant 0 : i32
    %dma_wait3A_59 = tpu.memref_slice %arg4[%dma_wait3A_56, %dma_wait3A_57, %dma_wait3A_58] : memref<4096x200x128xf32, #tpu.memory_space<hbm>> -> memref<1x200x64xf32, #tpu.memory_space<hbm>>
    %dma_wait3A_60 = tpu.memref_squeeze %dma_wait3A_59 : memref<1x200x64xf32, #tpu.memory_space<hbm>> -> memref<200x64xf32, #tpu.memory_space<hbm>>
    %dma_wait3A_61 = arith.constant 0 : i32
    %dma_wait3A_62 = arith.constant 0 : i32
    %dma_wait3A_63 = tpu.memref_slice %arg4[%dma_wait3A_56, %dma_wait3A_61, %dma_wait3A_62] : memref<4096x200x128xf32, #tpu.memory_space<hbm>> -> memref<1x200x64xf32, #tpu.memory_space<hbm>>
    %dma_wait3A_64 = tpu.memref_squeeze %dma_wait3A_63 : memref<1x200x64xf32, #tpu.memory_space<hbm>> -> memref<200x64xf32, #tpu.memory_space<hbm>>
    tpu.wait_dma2 semaphore(%arg15 : memref<!tpu.dma_semaphore, #tpu.memory_space<semaphore_mem>>) src(%arg7 : memref<200x64xf32, #tpu.memory_space<vmem>>) dst(%dma_wait3A_64 : memref<200x64xf32, #tpu.memory_space<hbm>>)
    %dma_wait3A_65 = arith.constant 0 : i32
    %dma_wait3A_66 = arith.constant 0 : i32
    %dma_wait3A_67 = arith.constant 0 : i32
    %dma_wait3A_68 = tpu.memref_slice %arg4[%dma_wait3A_65, %dma_wait3A_66, %dma_wait3A_67] : memref<4096x200x128xf32, #tpu.memory_space<hbm>> -> memref<1x200x64xf32, #tpu.memory_space<hbm>>
    %dma_wait3A_69 = tpu.memref_squeeze %dma_wait3A_68 : memref<1x200x64xf32, #tpu.memory_space<hbm>> -> memref<200x64xf32, #tpu.memory_space<hbm>>
    %dma_wait3A_70 = arith.constant 0 : i32
    %dma_wait3A_71 = arith.constant 0 : i32
    %dma_wait3A_72 = tpu.memref_slice %arg4[%dma_wait3A_65, %dma_wait3A_70, %dma_wait3A_71] : memref<4096x200x128xf32, #tpu.memory_space<hbm>> -> memref<1x200x64xf32, #tpu.memory_space<hbm>>
    %dma_wait3A_73 = tpu.memref_squeeze %dma_wait3A_72 : memref<1x200x64xf32, #tpu.memory_space<hbm>> -> memref<200x64xf32, #tpu.memory_space<hbm>>
    tpu.wait_dma2 semaphore(%arg16 : memref<!tpu.dma_semaphore, #tpu.memory_space<semaphore_mem>>) src(%arg8 : memref<200x64xf32, #tpu.memory_space<vmem>>) dst(%dma_wait3A_73 : memref<200x64xf32, #tpu.memory_space<hbm>>)
    %dma_wait3A_74 = arith.constant 0 : i32
    %dma_wait3A_75 = arith.constant 0 : i32
    %dma_wait3A_76 = arith.constant 0 : i32
    %dma_wait3A_77 = tpu.memref_slice %arg4[%dma_wait3A_74, %dma_wait3A_75, %dma_wait3A_76] : memref<4096x200x128xf32, #tpu.memory_space<hbm>> -> memref<1x200x64xf32, #tpu.memory_space<hbm>>
    %dma_wait3A_78 = tpu.memref_squeeze %dma_wait3A_77 : memref<1x200x64xf32, #tpu.memory_space<hbm>> -> memref<200x64xf32, #tpu.memory_space<hbm>>
    %dma_wait3A_79 = arith.constant 0 : i32
    %dma_wait3A_80 = arith.constant 0 : i32
    %dma_wait3A_81 = tpu.memref_slice %arg4[%dma_wait3A_74, %dma_wait3A_79, %dma_wait3A_80] : memref<4096x200x128xf32, #tpu.memory_space<hbm>> -> memref<1x200x64xf32, #tpu.memory_space<hbm>>
    %dma_wait3A_82 = tpu.memref_squeeze %dma_wait3A_81 : memref<1x200x64xf32, #tpu.memory_space<hbm>> -> memref<200x64xf32, #tpu.memory_space<hbm>>
    tpu.wait_dma2 semaphore(%arg17 : memref<!tpu.dma_semaphore, #tpu.memory_space<semaphore_mem>>) src(%arg9 : memref<200x64xf32, #tpu.memory_space<vmem>>) dst(%dma_wait3A_82 : memref<200x64xf32, #tpu.memory_space<hbm>>)
    return
  }
}

</mosaic_0001>

<sc_bundles>
// kernel: kernel.3.cloned.1.call-start
scs
__scs_entry_jumppad:
0x0: {  	(pc) =	sbr.rel $0x88, $3  }
0x1: {  	(tag) =	ssettag $0x0;
	lr =	simm.s32 $0x1  }
0x2: {  	[smem:$0x3F9F] =	sst lr;
	_ =	strace $0xD0000000  }
0x3: {  	_ = 	snop  }
0x4: {  	_ = 	snop  }
0x5: {  	_ = 	snop  }
0x6: {  	_ = 	snop  }
0x7: {  	_ = 	snop  }
__scs_overlays_trampoline_lowered:
0x8: {  	[smem:$0x3FAE] =	sst s0  }
0x9: {  	[smem:$0x3FAF] =	sst s1  }
0xa: {  	[smem:$0x3FB0] =	sst s2  }
0xb: {  	[smem:$0x3FB1] =	sst s3  }
0xc: {  	[smem:$0x3FB2] =	sst s4  }
0xd: {  	[smem:$0x3FB3] =	sst s5  }
0xe: {  	[smem:$0x3FB4] =	sst s6  }
0xf: {  	[smem:$0x3FB5] =	sst s7  }
0x10: {  	[smem:$0x3FB6] =	sst s8  }
0x11: {  	[smem:$0x3FB7] =	sst s9;
	s0 =	simm.s32 @!p0 $0x0  }
0x12: {  	s1 =	sld [smem:$0x3F9D];
	s0 =	simm.s32 @p0 $0x1  }
0x13: {  	[smem:$0x3FB8] =	sst s0;
	s0 =	simm.s32 @!p1 $0x0  }
0x14: {  	s2 =	sld [smem:$0x3F9C];
	s0 =	simm.s32 @p1 $0x1  }
0x15: {  	[smem:$0x3FB9] =	sst s0;
	s0 =	simm.s32 @!p2 $0x0  }
0x16: {  	s3 =	sld [smem:$0x3FDB];
	s0 =	simm.s32 @p2 $0x1  }
0x17: {  	s4 =	simm.s32 $0x1BF5;
	[smem:$0x3FBB] =	sst s0  }
0x18: {  	s0 =	sld [smem:$0x3F9E];
	_ =	swait.ge [sflag:s4], $0x0  }
0x19: {  	s7 =	sld [smem:$0x3F9F]  }
0x1a: {  	s8 =	sadd.s32 $0xFFFFE003, lr  }
0x1b: {  	s9 =	sadd.s32 $0xFFFFFEF7, lr;
	s5 =	simm.s32 $0xFFFFFFFF;
	p2 =	slt.u32 s8, $0xFFFFF086  }
0x1c: {  	p1 =	slt.u32 s9, $0xF7A;
	s5 =	simm.s32 @!p2 $0x0  }
0x1d: {  	s5 =	simm.s32 @p1 $0x1;
	p0 =	seq.s32 s7, s2  }
0x1e: {  	s7 =	smul.u32 @!p0 $0xF7A, s2;
	p2 =	seq.s32 @!p0 s5, $0x0  }
0x1f: {  	s9 =	smul.u32 $0xF7A, s1;
	s8 =	simm.s32 @!p0 $0x1BF5;
	p2 =	por !p2, p0  }
0x20: {  	[sflag:s8] =	ssyncset.s32 @!p0 $0xFFFFF086;
	s6 =	sadd.s32 @!p0 s3, s7;
	s7 =	simm.s32 @!p0 $0x108  }
0x21: {  	s3 =	sadd.s32 s3, s9;
	s6 =	sadd.s32 @!p0 $0x88, s6;
	s7 =	simm.s32 @p2 $0x1082  }
0x22: {  	[simem:s7], [sflag:s8] =	dma.local @!p0 [hbm:s6], $0xF7A  }
0x23: {  	s9 =	sor.u32 $0xD0000000, s2;
	s6 =	simm.s32 $0x108;
	_ =	swait.ge @!p0 [sflag:s8], $0x0  }
0x24: {  	s3 =	sadd.s32 $0x88, s3;
	s6 =	simm.s32 @!p1 $0x1082;
	[sflag:s4] =	ssyncset.s32 $0xFFFFF086  }
0x25: {  	[simem:s6], [sflag:s4] =	dma.local [hbm:s3], $0xF7A  }
0x26: {  	[smem:$0x3F9F] =	sst s1;
	(tag) =	ssettag s2;
	_ =	strace s9  }
0x27: {  	s1 =	sld [smem:$0x3FAF]  }
0x28: {  	s2 =	sld [smem:$0x3FB0]  }
0x29: {  	s4 =	sld [smem:$0x3FB2]  }
0x2a: {  	p0 =	seq.s32 s5, $0x0;
	s5 =	sld [smem:$0x3FB3]  }
0x2b: {  	s6 =	sld [smem:$0x3FB4]  }
0x2c: {  	s7 =	sld [smem:$0x3FB5]  }
0x2d: {  	s3 =	simm.s32 $0x108;
	s8 =	sld [smem:$0x3FB6]  }
0x2e: {  	s3 =	simm.s32 @!p0 $0x1082;
	s9 =	sld [smem:$0x3FB7]  }
0x2f: {  	lr =	sadd.s32 s0, s3;
	s0 =	sld [smem:$0x3FAE]  }
0x30: {  	s3 =	sld [smem:$0x3FB1]  }
0x31: {  	[smem:$0x3FBA] =	sst s10  }
0x32: {  	s10 =	sld [smem:$0x3FB8];
	_ =	sdelay $0x3  }
0x33: {  	p0 =	seq.s32 s10, $0x1;
	s10 =	sld [smem:$0x3FBA];
	_ =	sdelay $0x3  }
0x34: {  	[smem:$0x3FBA] =	sst s10  }
0x35: {  	s10 =	sld [smem:$0x3FB9];
	_ =	sdelay $0x3  }
0x36: {  	p1 =	seq.s32 s10, $0x1;
	s10 =	sld [smem:$0x3FBA];
	_ =	sdelay $0x3  }
0x37: {  	[smem:$0x3FBA] =	sst s10  }
0x38: {  	s10 =	sld [smem:$0x3FBB]  }
0x39: {  	_ = 	snop;
	(pc) =	sbr.ind lr, $3  }
0x3a: {  	_ = 	snop  }
0x3b: {  	_ = 	snop  }
0x3c: {  	p2 =	seq.s32 s10, $0x1;
	s10 =	sld [smem:$0x3FBA]  }
0x3d: {  	_ =	shalt  }
0x3e: {  	_ =	shalt  }
0x3f: {  	_ =	shalt  }
0x40: {  	_ =	shalt  }
0x41: {  	_ =	shalt  }
0x42: {  	_ =	shalt  }
0x43: {  	_ =	shalt  }
0x44: {  	_ =	shalt  }
0x45: {  	_ =	shalt  }
0x46: {  	_ =	shalt  }
0x47: {  	_ =	shalt  }
0x48: {  	_ =	shalt  }
0x49: {  	_ =	shalt  }
0x4a: {  	_ =	shalt  }
0x4b: {  	_ =	shalt  }
0x4c: {  	_ =	shalt  }
0x4d: {  	_ =	shalt  }
0x4e: {  	_ =	shalt  }
0x4f: {  	_ =	shalt  }
0x50: {  	_ =	shalt  }
0x51: {  	_ =	shalt  }
0x52: {  	_ =	shalt  }
0x53: {  	_ =	shalt  }
0x54: {  	_ =	shalt  }
0x55: {  	_ =	shalt  }
0x56: {  	_ =	shalt  }
0x57: {  	_ =	shalt  }
0x58: {  	_ =	shalt  }
0x59: {  	_ =	shalt  }
0x5a: {  	_ =	shalt  }
0x5b: {  	_ =	shalt  }
0x5c: {  	_ =	shalt  }
0x5d: {  	_ =	shalt  }
0x5e: {  	_ =	shalt  }
0x5f: {  	_ =	shalt  }
0x60: {  	_ =	shalt  }
0x61: {  	_ =	shalt  }
0x62: {  	_ =	shalt  }
0x63: {  	_ =	shalt  }
0x64: {  	_ =	shalt  }
0x65: {  	_ =	shalt  }
0x66: {  	_ =	shalt  }
0x67: {  	_ =	shalt  }
0x68: {  	_ =	shalt  }
0x69: {  	_ =	shalt  }
0x6a: {  	_ =	shalt  }
0x6b: {  	_ =	shalt  }
0x6c: {  	_ =	shalt  }
0x6d: {  	_ =	shalt  }
0x6e: {  	_ =	shalt  }
0x6f: {  	_ =	shalt  }
0x70: {  	_ =	shalt  }
0x71: {  	_ =	shalt  }
0x72: {  	_ =	shalt  }
0x73: {  	_ =	shalt  }
0x74: {  	_ =	shalt  }
0x75: {  	_ =	shalt  }
0x76: {  	_ =	shalt  }
0x77: {  	_ =	shalt  }
0x78: {  	_ =	shalt  }
0x79: {  	_ =	shalt  }
0x7a: {  	_ =	shalt  }
0x7b: {  	_ =	shalt  }
0x7c: {  	_ =	shalt  }
0x7d: {  	_ =	shalt  }
0x7e: {  	_ =	shalt  }
0x7f: {  	_ =	shalt  }
0x80: {  	_ =	shalt  }
0x81: {  	_ =	shalt  }
0x82: {  	_ =	shalt  }
0x83: {  	_ =	shalt  }
0x84: {  	_ =	shalt  }
0x85: {  	_ =	shalt  }
0x86: {  	_ =	shalt  }
0x87: {  	_ =	shalt  }
.Lfunc_end0:
.L_simem_size_0:
called_computation.1_lowered:
.L_overlay_start_0:
0x88: {  	s2 =	sld [smem:$0x3FD9]  }
0x89: {  	s3 =	sld [smem:$0x3FFE];
	_ =	sdelay $0x1  }
0x8a: {  	s1 =	srdreg.scid  }
0x8b: {  	s0 =	sand.u32 $0x1, s1  }
0x8c: {  	s17 =	sshll.u32 s0, $0xA;
	s2 =	sadd.s32 s3, s2  }
0x8d: {  	s2 =	sadd.s32 s2, s17  }
0x8e: {  	[smem:$0x3FC6] =	sst s2  }
0x8f: {  	_ = 	snop  }
0x90: {  	s2 =	sld [smem:$0x3FD0];
	(tm) =	ssettm $0x1  }
0x91: {  	s18 =	sld [smem:$0x3FFB];
	_ =	sdelay $0x3  }
0x92: {  	_ =	strace s18  }
0x93: {  	s3 =	sld [smem:$0x3FFC];
	_ =	sdelay $0x3  }
0x94: {  	_ =	strace s3  }
0x95: {  	s3 =	sld [smem:$0x3FFD];
	_ =	sdelay $0x3  }
0x96: {  	_ =	strace s3  }
0x97: {  	_ =	strace $0x8FFFFFFF  }
0x98: {  	s19 =	sld [smem:$0x3FDB];
	_ =	sdelay $0x1  }
0x99: {  	s4 =	simm.s32 $_scs_section_size  }
0x9a: {  	s5 =	simm.s32 $_size__tile_overlayer_lowered;
	s6 =	simm.s32 $_tile_overlayer_lowered  }
0x9b: {  	s22 =	simm.s32 $0x1BFF;
	s21 =	sshll.u32 s6, $0x1;
	s3 =	sadd.s32 s4, s19  }
0x9c: {  	s7 =	simm.s32 $0x0;
	s20 =	sshll.u32 s5, $0x1;
	s5 =	sadd.s32 s21, s3  }
0x9d: {  	[timem:s7], [sflag:s22] =	dma.local [hbm:s5], s20  }
0x9e: {  	_ =	swait.ge [sflag:s22], s20  }
0x9f: {  	s4 =	ssub.s32 $0x0, s20;
	[sflag:s22] =	ssyncset.done $0x0  }
0xa0: {  	[sflag:s22] =	ssyncadd.s32 s4;
	_ =	sdelay $0x1  }
0xa1: {  	s23 =	simm.s32 $0x1B8B  }
0xa2: {  	_ =	swait.ge [sflag:s23], $0x1  }
0xa3: {  	[sflag:s23] =	ssyncset.done $0x0  }
0xa4: {  	s25 =	simm.s32 $0x1B8E;
	s24 =	sld [smem:$0x3FFE];
	[sflag:s23] =	ssyncadd.s32 $0xFFFFFFFF  }
0xa5: {  	s26 =	simm.s32 $execute0_lowered;
	[smem:$0x3FD2] =	sst s25  }
0xa6: {  	s5 =	sshll.u32 s26, $0x1;
	_ =	strace $0x80000046;
	[dreg:$0x1] =	wrdreg $0xFFFFFFFF  }
0xa7: {  	s28 =	simm.s32 $_size_execute0_lowered;
	s3 =	sadd.s32 s3, s5;
	[dreg:$0x0] =	wrdreg $0x0  }
0xa8: {  	s5 =	sshll.u32 s28, $0x1;
	[dreg:$0x2] =	wrdreg s3  }
0xa9: {  	[dreg:$0x3] =	wrdreg s5  }
0xaa: {  	[dreg:$0x4] =	wrdreg $0xC0  }
0xab: {  	_ =	task [dreg:s7], $0x5FFFF  }
0xac: {  	[dreg:$0x1] =	wrdreg $0xFFFFFFFF  }
0xad: {  	[dreg:$0x0] =	wrdreg $0x60  }
0xae: {  	[dreg:$0x2] =	wrdreg s24  }
0xaf: {  	[dreg:$0x3] =	wrdreg s2  }
0xb0: {  	[dreg:$0x4] =	wrdreg $0x9  }
0xb1: {  	_ =	task.clear_ibuf [dreg:s7], $0x5FFFF;
	_ =	strace $0x90000046  }
0xb2: {  	s29 =	simm.s32 $0x9;
	_ =	strace $0x80000048  }
0xb3: {  	_ =	swait.ge [sflag:s29], $0x1  }
0xb4: {  	[sflag:s29] =	ssyncadd.s32 $0xFFFFFFFF  }
0xb5: {  	_ =	strace $0x90000048  }
0xb6: {  	_ =	sfence  }
0xb7: {  	s30 =	sld [smem:$0x0];
	_ =	sdelay $0x2  }
0xb8: {  	s31 =	sshll.u32 s1, $0xD;
	s1 =	sshrl.u32 s1, $0x2  }
0xb9: {  	s3 =	sand.u32 $0x4000, s31;
	s1 =	sadd.s32 s1, s30  }
0xba: {  	s0 =	sor.u32 s3, s0;
	s1 =	sshll.u32 s1, $0x11  }
0xbb: {  	s0 =	sor.u32 s1, s0  }
0xbc: {  	s0 =	sadd.s32 $0x8F2B, s0  }
0xbd: {  	[sflag:s0] =	ssyncadd.remote.s32 $0x1  }
0xbe: {  	_ =	sfence.sel $0xFFFF  }
0xbf: {  	[dreg:$0x0] =	wrdreg $0xFFFFFFFF;
	(pc) =	sbr.abs _section_cstart, $3  }
0xc0: {  	[dreg:$0x1] =	wrdreg $0xFFFFFFFF  }
0xc1: {  	_ =	task.clear_ibuf [dreg:s7], $0x2FFFF;
	_ =	strace $0x9FFFFFFF  }
0xc2: {  	(tm) =	ssettm $0x7FFFFFFF  }
0xc3: {  	_ =	shalt  }
tec
execute0_lowered:
.L_overlay_start_1:
0x0: {  	(tag) =	ssettag $0x1  }
0x1: {  	s0 =	srdreg.scid;
	s1 =	rddreg [dreg:$0x0]  }
0x2: {  	s3 =	stileid.u32;
	s2 =	rddreg [dreg:$0x1];
	s5 =	simm.s32 $0x0  }
0x3: {  	s8 =	simm.s32 $0x9;
	s9 =	simm.s32 $0x80;
	s10 =	simm.s32 $0x6400  }
0x4: {  	s11 =	simm.s32 $0x48;
	s14 =	simm.s32 $0x9600;
	s17 =	simm.s32 $0xC800  }
0x5: {  	s18 =	simm.s32 $0xE800;
	s19 =	simm.s32 $0x1;
	s20 =	simm.s32 $0x40  }
0x6: {  	s21 =	simm.s32 $0xFA00;
	s22 =	simm.s32 $0x11A00;
	s23 =	simm.s32 $0x2  }
0x7: {  	s24 =	simm.s32 $0x3;
	s25 =	simm.s32 $0x4;
	s26 =	simm.s32 $0x5  }
0x8: {  	s28 =	simm.s32 $0x6;
	s29 =	simm.s32 $0x7;
	s0 =	sand.u32 $0x1, s0  }
0x9: {  	s30 =	simm.s32 $0x8;
	s3 =	sshll.u32 s3, $0x8;
	s4 =	sshll.u32 s0, $0x7  }
0xa: {  	s31 =	simm.s32 $0x0;
	s0 =	ssub.s32 $0x2, s0;
	s3 =	sor.u32 s4, s3  }
0xb: {  	[smem:$0x7FF] =	sst s5;
	s7 =	sshrl.u32 s0, $0x1;
	s6 =	smul.u32 $0x19, s3  }
0xc: {  	s5 =	sadd.s32 $0xA00, s1;
	_ =	strace $0x80000047;
	s0 =	ssub.s32 s0, s7  }
0xd: {  	s4 =	sadd.s32 $0xF42E00, s1;
	s7 =	smax.u32 s0, $0x1;
	s6 =	sadd.s32 s2, s6  }
.LBB2_1:
0xe: {  	s0 =	simm.s32 $0x0  }
0xf: {  	[tilespmem:s0], [sflag:$0x9] =	stream.linear.gather [hbm4b:s6+s0], $0x6400, $0x38;
	[tilespmem:$0x12C00] =	vst v63  }
0x10: {  	_ =	swait.ge [sflag:s8], $0x6400  }
0x11: {  	[sflag:s8] =	ssyncset.done $0x0  }
0x12: {  	[sflag:s8] =	ssyncadd.s32 $0xFFFF9C00  }
0x13: {  	[tilespmem:s10], [sflag:$0x1] =	stream.indirect.gather [hbm4b:s4+s9], $0x40, s0, s9, $0xb8;
	[tilespmem:$0x12C00] =	vst v63  }
0x14: {  	s13 =	simm.s32 $0x8400  }
0x15: {  	[tilespmem:s13], [sflag:$0x1] =	stream.indirect.gather [hbm4b:s4+s11], $0x40, s9, s11, $0xb8;
	[tilespmem:$0x12C00] =	vst v63  }
0x16: {  	s15 =	simm.s32 $0xC8  }
0x17: {  	[tilespmem:s14], [sflag:$0x2] =	stream.indirect.gather [hbm4b:s4+s9], $0x40, s15, s9, $0xb8;
	[tilespmem:$0x12C00] =	vst v63  }
0x18: {  	s16 =	simm.s32 $0x148;
	s1 =	simm.s32 $0xB600  }
0x19: {  	[tilespmem:s1], [sflag:$0x2] =	stream.indirect.gather [hbm4b:s4+s11], $0x40, s16, s11, $0xb8;
	[tilespmem:$0x12C00] =	vst v63  }
0x1a: {  	s1 =	simm.s32 $0x0  }
.LBB2_2:
0x1b: {  	s13 =	sshll.u32 s1, $0x2;
	p0 =	seq.s32 s1, $0x0  }
0x1c: {  	s12 =	sor.u32 $0x2, s13;
	s0 =	simm.s32 @!p0 $0x7  }
0x1d: {  	_ =	swait.ge @!p0 [sflag:s0], $0x3200;
	s2 =	smul.u32 $0x320, s12  }
0x1e: {  	[sflag:s0] =	ssyncset.done @!p0 $0x0  }
0x1f: {  	[sflag:s0] =	ssyncadd.s32 @!p0 $0xFFFFCE00;
	s16 =	sshra.s32 s2, $0x2  }
0x20: {  	[tilespmem:s17], [sflag:$0x3] =	stream.indirect.gather [hbm4b:s4+s9], $0x40, s16, s9, $0xb8;
	[tilespmem:$0x12C00] =	vst v63  }
0x21: {  	s0 =	sadd.s32 $0x80, s16  }
0x22: {  	[tilespmem:s18], [sflag:$0x3] =	stream.indirect.gather [hbm4b:s4+s11], $0x40, s0, s11, $0xb8;
	[tilespmem:$0x12C00] =	vst v63  }
0x23: {  	_ =	swait.ge [sflag:s19], $0x3200  }
0x24: {  	[sflag:s19] =	ssyncset.done $0x0  }
0x25: {  	s0 =	simm.s32 $0x6500;
	[sflag:s19] =	ssyncadd.s32 $0xFFFFCE00  }
0x26: {  	v0 =	vld [tilespmem:s0+$0xF0]  }
0x27: {  	v1 =	vld [tilespmem:s0+$0xFFFFFF10]  }
0x28: {  	v2 =	vld [tilespmem:s0+$0xFFFFFF20]  }
0x29: {  	v3 =	vld [tilespmem:s0+$0xFFFFFF30]  }
0x2a: {  	v4 =	vld [tilespmem:s0+$0xFFFFFF40]  }
0x2b: {  	v5 =	vld [tilespmem:s0+$0xFFFFFF50];
	v0 =	vmul.f32 $8.000000000e+00, v0  }
0x2c: {  	v6 =	vld [tilespmem:s0+$0xFFFFFF60];
	v1 =	vmul.f32 $8.000000000e+00, v1  }
0x2d: {  	v7 =	vld [tilespmem:s0+$0xFFFFFF70];
	v2 =	vmul.f32 $8.000000000e+00, v2;
	[tilespmem:s0+$0xF0] =	vst v0  }
0x2e: {  	[tilespmem:s0+$0xFFFFFF10] =	vst v1;
	v0 =	vmul.f32 $8.000000000e+00, v3;
	v1 =	vld [tilespmem:s0+$0xFFFFFF80]  }
0x2f: {  	[tilespmem:s0+$0xFFFFFF20] =	vst v2;
	v2 =	vmul.f32 $8.000000000e+00, v4;
	v3 =	vld [tilespmem:s0+$0xFFFFFF90]  }
0x30: {  	v4 =	vld [tilespmem:s0+$0xFFFFFFA0];
	[tilespmem:s0+$0xFFFFFF30] =	vst v0;
	v0 =	vmul.f32 $8.000000000e+00, v5  }
0x31: {  	[tilespmem:s0+$0xFFFFFF40] =	vst v2;
	v2 =	vmul.f32 $8.000000000e+00, v6;
	v5 =	vld [tilespmem:s0+$0xFFFFFFB0]  }
0x32: {  	v6 =	vld [tilespmem:s0+$0xFFFFFFC0];
	[tilespmem:s0+$0xFFFFFF50] =	vst v0;
	v0 =	vmul.f32 $8.000000000e+00, v7  }
0x33: {  	[tilespmem:s0+$0xFFFFFF60] =	vst v2;
	v2 =	vld [tilespmem:s0+$0xFFFFFFD0];
	v1 =	vmul.f32 $8.000000000e+00, v1  }
0x34: {  	[tilespmem:s0+$0xFFFFFF70] =	vst v0;
	v0 =	vmul.f32 $8.000000000e+00, v3;
	v3 =	vld [tilespmem:s0+$0xFFFFFFE0]  }
0x35: {  	[tilespmem:s0+$0xFFFFFF80] =	vst v1;
	v1 =	vmul.f32 $8.000000000e+00, v4;
	v4 =	vld [tilespmem:s0+$0xFFFFFFF0]  }
0x36: {  	[tilespmem:s0+$0xFFFFFF90] =	vst v0;
	v0 =	vmul.f32 $8.000000000e+00, v5;
	v5 =	vld [tilespmem:s0+$0x0]  }
0x37: {  	[tilespmem:s0+$0xFFFFFFA0] =	vst v1;
	v1 =	vmul.f32 $8.000000000e+00, v6;
	v6 =	vld [tilespmem:s0+$0x10]  }
0x38: {  	[tilespmem:s0+$0xFFFFFFB0] =	vst v0;
	v0 =	vmul.f32 $8.000000000e+00, v2;
	v2 =	vld [tilespmem:s0+$0x20]  }
0x39: {  	[tilespmem:s0+$0xFFFFFFC0] =	vst v1;
	v1 =	vmul.f32 $8.000000000e+00, v3;
	v3 =	vld [tilespmem:s0+$0x30]  }
0x3a: {  	[tilespmem:s0+$0xFFFFFFD0] =	vst v0;
	v0 =	vmul.f32 $8.000000000e+00, v4;
	v4 =	vld [tilespmem:s0+$0x40]  }
0x3b: {  	[tilespmem:s0+$0xFFFFFFE0] =	vst v1;
	v1 =	vmul.f32 $8.000000000e+00, v5;
	v5 =	vld [tilespmem:s0+$0x50]  }
0x3c: {  	[tilespmem:s0+$0xFFFFFFF0] =	vst v0;
	v0 =	vmul.f32 $8.000000000e+00, v6;
	v6 =	vld [tilespmem:s0+$0x60]  }
0x3d: {  	[tilespmem:s0+$0x0] =	vst v1;
	v1 =	vmul.f32 $8.000000000e+00, v2;
	v2 =	vld [tilespmem:s0+$0x70]  }
0x3e: {  	[tilespmem:s0+$0x10] =	vst v0;
	v0 =	vmul.f32 $8.000000000e+00, v3;
	v3 =	vld [tilespmem:s0+$0x80]  }
0x3f: {  	[tilespmem:s0+$0x20] =	vst v1;
	v1 =	vmul.f32 $8.000000000e+00, v4;
	v4 =	vld [tilespmem:s0+$0x90]  }
0x40: {  	v7 =	vld [tilespmem:s0+$0xA0];
	[tilespmem:s0+$0x30] =	vst v0;
	v5 =	vmul.f32 $8.000000000e+00, v5  }
0x41: {  	v0 =	vld [tilespmem:s0+$0xB0];
	[tilespmem:s0+$0x40] =	vst v1;
	v6 =	vmul.f32 $8.000000000e+00, v6  }
0x42: {  	v1 =	vld [tilespmem:s0+$0xC0];
	[tilespmem:s0+$0x50] =	vst v5;
	v5 =	vmul.f32 $8.000000000e+00, v2  }
0x43: {  	v2 =	vld [tilespmem:s0+$0xD0];
	[tilespmem:s0+$0x60] =	vst v6;
	v6 =	vmul.f32 $8.000000000e+00, v3  }
0x44: {  	v3 =	vld [tilespmem:s0+$0xE0];
	[tilespmem:s0+$0x70] =	vst v5;
	v5 =	vmul.f32 $8.000000000e+00, v4  }
0x45: {  	s15 =	simm.s32 $0x0;
	s16 =	simm.s32 $0x6700;
	v4 =	vld [tilespmem:s0+$0xFFFFFF00];
	[tilespmem:s0+$0x80] =	vst v6;
	v6 =	vmul.f32 $8.000000000e+00, v7  }
.LBB2_3:
0x46: {  	v7 =	vld [tilespmem:s16+$0xF0];
	s15 =	sadd.s32 $0x8, s15;
	[tilespmem:s0+$0x90] =	vst v5;
	v0 =	vmul.f32 $8.000000000e+00, v0  }
0x47: {  	v5 =	vld [tilespmem:s16+$0xFFFFFF10];
	p1 =	slt.u32 s15, $0xC0;
	[tilespmem:s0+$0xA0] =	vst v6;
	v1 =	vmul.f32 $8.000000000e+00, v1  }
0x48: {  	v6 =	vld [tilespmem:s16+$0xFFFFFF20];
	[tilespmem:s0+$0xB0] =	vst v0;
	v0 =	vmul.f32 $8.000000000e+00, v2  }
0x49: {  	v2 =	vld [tilespmem:s16+$0xFFFFFF30];
	[tilespmem:s0+$0xC0] =	vst v1;
	v1 =	vmul.f32 $8.000000000e+00, v3  }
0x4a: {  	v3 =	vld [tilespmem:s16+$0xFFFFFF40];
	v4 =	vmul.f32 $8.000000000e+00, v4;
	[tilespmem:s0+$0xD0] =	vst v0  }
0x4b: {  	v0 =	vld [tilespmem:s16+$0xFFFFFF50];
	v7 =	vmul.f32 $8.000000000e+00, v7;
	[tilespmem:s0+$0xE0] =	vst v1  }
0x4c: {  	v1 =	vmul.f32 $8.000000000e+00, v5;
	v5 =	vld [tilespmem:s16+$0xFFFFFF60];
	[tilespmem:s0+$0xFFFFFF00] =	vst v4;
	s0 =	smov.u32 s16  }
0x4d: {  	v4 =	vmul.f32 $8.000000000e+00, v6;
	v6 =	vld [tilespmem:s16+$0xFFFFFF70];
	[tilespmem:s16+$0xF0] =	vst v7  }
0x4e: {  	[tilespmem:s16+$0xFFFFFF10] =	vst v1;
	v1 =	vmul.f32 $8.000000000e+00, v2;
	v2 =	vld [tilespmem:s16+$0xFFFFFF80]  }
0x4f: {  	[tilespmem:s16+$0xFFFFFF20] =	vst v4;
	v3 =	vmul.f32 $8.000000000e+00, v3;
	v4 =	vld [tilespmem:s16+$0xFFFFFF90]  }
0x50: {  	[tilespmem:s16+$0xFFFFFF30] =	vst v1;
	v0 =	vmul.f32 $8.000000000e+00, v0;
	v1 =	vld [tilespmem:s16+$0xFFFFFFA0]  }
0x51: {  	[tilespmem:s16+$0xFFFFFF40] =	vst v3;
	v3 =	vmul.f32 $8.000000000e+00, v5;
	v5 =	vld [tilespmem:s16+$0xFFFFFFB0]  }
0x52: {  	[tilespmem:s16+$0xFFFFFF50] =	vst v0;
	v0 =	vmul.f32 $8.000000000e+00, v6;
	v6 =	vld [tilespmem:s16+$0xFFFFFFC0]  }
0x53: {  	[tilespmem:s16+$0xFFFFFF60] =	vst v3;
	v2 =	vmul.f32 $8.000000000e+00, v2;
	v3 =	vld [tilespmem:s16+$0xFFFFFFD0]  }
0x54: {  	[tilespmem:s16+$0xFFFFFF70] =	vst v0;
	v0 =	vmul.f32 $8.000000000e+00, v4;
	v4 =	vld [tilespmem:s16+$0xFFFFFFE0]  }
0x55: {  	[tilespmem:s16+$0xFFFFFF80] =	vst v2;
	v1 =	vmul.f32 $8.000000000e+00, v1;
	v2 =	vld [tilespmem:s16+$0xFFFFFFF0]  }
0x56: {  	[tilespmem:s16+$0xFFFFFF90] =	vst v0;
	v0 =	vmul.f32 $8.000000000e+00, v5;
	v5 =	vld [tilespmem:s16+$0x0]  }
0x57: {  	[tilespmem:s16+$0xFFFFFFA0] =	vst v1;
	v1 =	vmul.f32 $8.000000000e+00, v6;
	v6 =	vld [tilespmem:s16+$0x10]  }
0x58: {  	[tilespmem:s16+$0xFFFFFFB0] =	vst v0;
	v0 =	vmul.f32 $8.000000000e+00, v3;
	v3 =	vld [tilespmem:s16+$0x20]  }
0x59: {  	[tilespmem:s16+$0xFFFFFFC0] =	vst v1;
	v1 =	vmul.f32 $8.000000000e+00, v4;
	v4 =	vld [tilespmem:s16+$0x30]  }
0x5a: {  	[tilespmem:s16+$0xFFFFFFD0] =	vst v0;
	v0 =	vmul.f32 $8.000000000e+00, v2;
	v2 =	vld [tilespmem:s16+$0x40]  }
0x5b: {  	[tilespmem:s16+$0xFFFFFFE0] =	vst v1;
	v1 =	vmul.f32 $8.000000000e+00, v5;
	v5 =	vld [tilespmem:s16+$0x50]  }
0x5c: {  	[tilespmem:s16+$0xFFFFFFF0] =	vst v0;
	v0 =	vmul.f32 $8.000000000e+00, v6;
	v6 =	vld [tilespmem:s16+$0x60]  }
0x5d: {  	[tilespmem:s16+$0x0] =	vst v1;
	v1 =	vmul.f32 $8.000000000e+00, v3;
	v3 =	vld [tilespmem:s16+$0x70]  }
0x5e: {  	[tilespmem:s16+$0x10] =	vst v0;
	v0 =	vmul.f32 $8.000000000e+00, v4;
	v4 =	vld [tilespmem:s16+$0x80]  }
0x5f: {  	[tilespmem:s16+$0x20] =	vst v1;
	v1 =	vmul.f32 $8.000000000e+00, v2;
	v7 =	vld [tilespmem:s16+$0x90]  }
0x60: {  	[tilespmem:s16+$0x30] =	vst v0;
	v2 =	vmul.f32 $8.000000000e+00, v5;
	v8 =	vld [tilespmem:s16+$0xA0]  }
.Ltmp0:
0x61: {  	[tilespmem:s16+$0x40] =	vst v1;
	v5 =	vmul.f32 $8.000000000e+00, v6;
	v0 =	vld [tilespmem:s16+$0xB0];
	(pc) =	sbr.rel @p1 .LBB2_3-.Ltmp0, $4  }
0x62: {  	[tilespmem:s16+$0x50] =	vst v2;
	v3 =	vmul.f32 $8.000000000e+00, v3;
	v1 =	vld [tilespmem:s16+$0xC0]  }
0x63: {  	[tilespmem:s16+$0x60] =	vst v5;
	v6 =	vmul.f32 $8.000000000e+00, v4;
	v2 =	vld [tilespmem:s16+$0xD0]  }
0x64: {  	[tilespmem:s16+$0x70] =	vst v3;
	v5 =	vmul.f32 $8.000000000e+00, v7;
	v3 =	vld [tilespmem:s16+$0xE0]  }
0x65: {  	s16 =	sadd.s32 $0x200, s16;
	v4 =	vld [tilespmem:s0+$0xFFFFFF00];
	[tilespmem:s0+$0x80] =	vst v6;
	v6 =	vmul.f32 $8.000000000e+00, v8  }
0x66: {  	[tilespmem:s0+$0x90] =	vst v5;
	v0 =	vmul.f32 $8.000000000e+00, v0  }
0x67: {  	[tilespmem:s0+$0xA0] =	vst v6;
	v1 =	vmul.f32 $8.000000000e+00, v1  }
0x68: {  	[tilespmem:s0+$0xB0] =	vst v0;
	v0 =	vmul.f32 $8.000000000e+00, v2  }
0x69: {  	s2 =	sadd.s32 s3, s13;
	[tilespmem:s0+$0xC0] =	vst v1;
	v1 =	vmul.f32 $8.000000000e+00, v3  }
0x6a: {  	s2 =	smul.u32 $0xC80, s2;
	v2 =	vmul.f32 $8.000000000e+00, v4;
	[tilespmem:s0+$0xD0] =	vst v0  }
0x6b: {  	[tilespmem:s0+$0xE0] =	vst v1  }
0x6c: {  	s15 =	sadd.s32 s5, s2;
	s2 =	simm.s32 @!p0 $0x8;
	[tilespmem:s0+$0xFFFFFF00] =	vst v2;
	s0 =	sor.u32 $0x3, s13  }
0x6d: {  	[hbm4b:s15+s20] =	stream.strided.scatter [tilespmem:s10], [sflag:$0x5], $0x3200, s9, s20, $0x38;
	[tilespmem:$0x12C00] =	vst v63  }
0x6e: {  	s15 =	smul.u32 $0x320, s0;
	_ =	swait.ge @!p0 [sflag:s2], $0x3200  }
0x6f: {  	[sflag:s2] =	ssyncset.done @!p0 $0x0  }
0x70: {  	s16 =	sshra.s32 s15, $0x2;
	[sflag:s2] =	ssyncadd.s32 @!p0 $0xFFFFCE00  }
0x71: {  	[tilespmem:s21], [sflag:$0x4] =	stream.indirect.gather [hbm4b:s4+s9], $0x40, s16, s9, $0xb8;
	[tilespmem:$0x12C00] =	vst v63  }
0x72: {  	s2 =	sadd.s32 $0x80, s16  }
0x73: {  	[tilespmem:s22], [sflag:$0x4] =	stream.indirect.gather [hbm4b:s4+s11], $0x40, s2, s11, $0xb8;
	[tilespmem:$0x12C00] =	vst v63  }
0x74: {  	_ =	swait.ge [sflag:s23], $0x3200  }
0x75: {  	[sflag:s23] =	ssyncset.done $0x0  }
0x76: {  	s15 =	simm.s32 $0x9700;
	[sflag:s23] =	ssyncadd.s32 $0xFFFFCE00  }
0x77: {  	v0 =	vld [tilespmem:s15+$0xF0]  }
0x78: {  	v1 =	vld [tilespmem:s15+$0xFFFFFF10]  }
0x79: {  	v2 =	vld [tilespmem:s15+$0xFFFFFF20]  }
0x7a: {  	v3 =	vld [tilespmem:s15+$0xFFFFFF30]  }
0x7b: {  	v4 =	vld [tilespmem:s15+$0xFFFFFF40]  }
0x7c: {  	v5 =	vld [tilespmem:s15+$0xFFFFFF50];
	v0 =	vmul.f32 $8.000000000e+00, v0  }
0x7d: {  	v6 =	vld [tilespmem:s15+$0xFFFFFF60];
	v1 =	vmul.f32 $8.000000000e+00, v1  }
0x7e: {  	v7 =	vld [tilespmem:s15+$0xFFFFFF70];
	v2 =	vmul.f32 $8.000000000e+00, v2;
	[tilespmem:s15+$0xF0] =	vst v0  }
0x7f: {  	[tilespmem:s15+$0xFFFFFF10] =	vst v1;
	v0 =	vmul.f32 $8.000000000e+00, v3;
	v1 =	vld [tilespmem:s15+$0xFFFFFF80]  }
0x80: {  	[tilespmem:s15+$0xFFFFFF20] =	vst v2;
	v2 =	vmul.f32 $8.000000000e+00, v4;
	v3 =	vld [tilespmem:s15+$0xFFFFFF90]  }
0x81: {  	v4 =	vld [tilespmem:s15+$0xFFFFFFA0];
	[tilespmem:s15+$0xFFFFFF30] =	vst v0;
	v0 =	vmul.f32 $8.000000000e+00, v5  }
0x82: {  	[tilespmem:s15+$0xFFFFFF40] =	vst v2;
	v2 =	vmul.f32 $8.000000000e+00, v6;
	v5 =	vld [tilespmem:s15+$0xFFFFFFB0]  }
0x83: {  	v6 =	vld [tilespmem:s15+$0xFFFFFFC0];
	[tilespmem:s15+$0xFFFFFF50] =	vst v0;
	v0 =	vmul.f32 $8.000000000e+00, v7  }
0x84: {  	[tilespmem:s15+$0xFFFFFF60] =	vst v2;
	v2 =	vld [tilespmem:s15+$0xFFFFFFD0];
	v1 =	vmul.f32 $8.000000000e+00, v1  }
0x85: {  	[tilespmem:s15+$0xFFFFFF70] =	vst v0;
	v0 =	vmul.f32 $8.000000000e+00, v3;
	v3 =	vld [tilespmem:s15+$0xFFFFFFE0]  }
0x86: {  	[tilespmem:s15+$0xFFFFFF80] =	vst v1;
	v1 =	vmul.f32 $8.000000000e+00, v4;
	v4 =	vld [tilespmem:s15+$0xFFFFFFF0]  }
0x87: {  	[tilespmem:s15+$0xFFFFFF90] =	vst v0;
	v0 =	vmul.f32 $8.000000000e+00, v5;
	v5 =	vld [tilespmem:s15+$0x0]  }
0x88: {  	[tilespmem:s15+$0xFFFFFFA0] =	vst v1;
	v1 =	vmul.f32 $8.000000000e+00, v6;
	v6 =	vld [tilespmem:s15+$0x10]  }
0x89: {  	[tilespmem:s15+$0xFFFFFFB0] =	vst v0;
	v0 =	vmul.f32 $8.000000000e+00, v2;
	v2 =	vld [tilespmem:s15+$0x20]  }
0x8a: {  	[tilespmem:s15+$0xFFFFFFC0] =	vst v1;
	v1 =	vmul.f32 $8.000000000e+00, v3;
	v3 =	vld [tilespmem:s15+$0x30]  }
0x8b: {  	[tilespmem:s15+$0xFFFFFFD0] =	vst v0;
	v0 =	vmul.f32 $8.000000000e+00, v4;
	v4 =	vld [tilespmem:s15+$0x40]  }
0x8c: {  	[tilespmem:s15+$0xFFFFFFE0] =	vst v1;
	v1 =	vmul.f32 $8.000000000e+00, v5;
	v5 =	vld [tilespmem:s15+$0x50]  }
0x8d: {  	[tilespmem:s15+$0xFFFFFFF0] =	vst v0;
	v0 =	vmul.f32 $8.000000000e+00, v6;
	v6 =	vld [tilespmem:s15+$0x60]  }
0x8e: {  	[tilespmem:s15+$0x0] =	vst v1;
	v1 =	vmul.f32 $8.000000000e+00, v2;
	v2 =	vld [tilespmem:s15+$0x70]  }
0x8f: {  	[tilespmem:s15+$0x10] =	vst v0;
	v0 =	vmul.f32 $8.000000000e+00, v3;
	v3 =	vld [tilespmem:s15+$0x80]  }
0x90: {  	[tilespmem:s15+$0x20] =	vst v1;
	v1 =	vmul.f32 $8.000000000e+00, v4;
	v4 =	vld [tilespmem:s15+$0x90]  }
0x91: {  	v7 =	vld [tilespmem:s15+$0xA0];
	[tilespmem:s15+$0x30] =	vst v0;
	v5 =	vmul.f32 $8.000000000e+00, v5  }
0x92: {  	v0 =	vld [tilespmem:s15+$0xB0];
	[tilespmem:s15+$0x40] =	vst v1;
	v6 =	vmul.f32 $8.000000000e+00, v6  }
0x93: {  	v1 =	vld [tilespmem:s15+$0xC0];
	[tilespmem:s15+$0x50] =	vst v5;
	v5 =	vmul.f32 $8.000000000e+00, v2  }
0x94: {  	v2 =	vld [tilespmem:s15+$0xD0];
	[tilespmem:s15+$0x60] =	vst v6;
	v6 =	vmul.f32 $8.000000000e+00, v3  }
0x95: {  	v3 =	vld [tilespmem:s15+$0xE0];
	[tilespmem:s15+$0x70] =	vst v5;
	v5 =	vmul.f32 $8.000000000e+00, v4  }
0x96: {  	s13 =	sor.u32 $0x1, s13;
	s16 =	simm.s32 $0x0;
	s2 =	simm.s32 $0x9900;
	v4 =	vld [tilespmem:s15+$0xFFFFFF00];
	[tilespmem:s15+$0x80] =	vst v6;
	v6 =	vmul.f32 $8.000000000e+00, v7  }
.LBB2_5:
0x97: {  	v7 =	vld [tilespmem:s2+$0xF0];
	s16 =	sadd.s32 $0x8, s16;
	[tilespmem:s15+$0x90] =	vst v5;
	v0 =	vmul.f32 $8.000000000e+00, v0  }
0x98: {  	v5 =	vld [tilespmem:s2+$0xFFFFFF10];
	p0 =	slt.u32 s16, $0xC0;
	[tilespmem:s15+$0xA0] =	vst v6;
	v1 =	vmul.f32 $8.000000000e+00, v1  }
0x99: {  	v6 =	vld [tilespmem:s2+$0xFFFFFF20];
	[tilespmem:s15+$0xB0] =	vst v0;
	v0 =	vmul.f32 $8.000000000e+00, v2  }
0x9a: {  	v2 =	vld [tilespmem:s2+$0xFFFFFF30];
	[tilespmem:s15+$0xC0] =	vst v1;
	v1 =	vmul.f32 $8.000000000e+00, v3  }
0x9b: {  	v3 =	vld [tilespmem:s2+$0xFFFFFF40];
	v4 =	vmul.f32 $8.000000000e+00, v4;
	[tilespmem:s15+$0xD0] =	vst v0  }
0x9c: {  	v0 =	vld [tilespmem:s2+$0xFFFFFF50];
	v7 =	vmul.f32 $8.000000000e+00, v7;
	[tilespmem:s15+$0xE0] =	vst v1  }
0x9d: {  	v1 =	vmul.f32 $8.000000000e+00, v5;
	v5 =	vld [tilespmem:s2+$0xFFFFFF60];
	[tilespmem:s15+$0xFFFFFF00] =	vst v4;
	s15 =	smov.u32 s2  }
0x9e: {  	v4 =	vmul.f32 $8.000000000e+00, v6;
	v6 =	vld [tilespmem:s2+$0xFFFFFF70];
	[tilespmem:s2+$0xF0] =	vst v7  }
0x9f: {  	[tilespmem:s2+$0xFFFFFF10] =	vst v1;
	v1 =	vmul.f32 $8.000000000e+00, v2;
	v2 =	vld [tilespmem:s2+$0xFFFFFF80]  }
0xa0: {  	[tilespmem:s2+$0xFFFFFF20] =	vst v4;
	v3 =	vmul.f32 $8.000000000e+00, v3;
	v4 =	vld [tilespmem:s2+$0xFFFFFF90]  }
0xa1: {  	[tilespmem:s2+$0xFFFFFF30] =	vst v1;
	v0 =	vmul.f32 $8.000000000e+00, v0;
	v1 =	vld [tilespmem:s2+$0xFFFFFFA0]  }
0xa2: {  	[tilespmem:s2+$0xFFFFFF40] =	vst v3;
	v3 =	vmul.f32 $8.000000000e+00, v5;
	v5 =	vld [tilespmem:s2+$0xFFFFFFB0]  }
0xa3: {  	[tilespmem:s2+$0xFFFFFF50] =	vst v0;
	v0 =	vmul.f32 $8.000000000e+00, v6;
	v6 =	vld [tilespmem:s2+$0xFFFFFFC0]  }
0xa4: {  	[tilespmem:s2+$0xFFFFFF60] =	vst v3;
	v2 =	vmul.f32 $8.000000000e+00, v2;
	v3 =	vld [tilespmem:s2+$0xFFFFFFD0]  }
0xa5: {  	[tilespmem:s2+$0xFFFFFF70] =	vst v0;
	v0 =	vmul.f32 $8.000000000e+00, v4;
	v4 =	vld [tilespmem:s2+$0xFFFFFFE0]  }
0xa6: {  	[tilespmem:s2+$0xFFFFFF80] =	vst v2;
	v1 =	vmul.f32 $8.000000000e+00, v1;
	v2 =	vld [tilespmem:s2+$0xFFFFFFF0]  }
0xa7: {  	[tilespmem:s2+$0xFFFFFF90] =	vst v0;
	v0 =	vmul.f32 $8.000000000e+00, v5;
	v5 =	vld [tilespmem:s2+$0x0]  }
0xa8: {  	[tilespmem:s2+$0xFFFFFFA0] =	vst v1;
	v1 =	vmul.f32 $8.000000000e+00, v6;
	v6 =	vld [tilespmem:s2+$0x10]  }
0xa9: {  	[tilespmem:s2+$0xFFFFFFB0] =	vst v0;
	v0 =	vmul.f32 $8.000000000e+00, v3;
	v3 =	vld [tilespmem:s2+$0x20]  }
0xaa: {  	[tilespmem:s2+$0xFFFFFFC0] =	vst v1;
	v1 =	vmul.f32 $8.000000000e+00, v4;
	v4 =	vld [tilespmem:s2+$0x30]  }
0xab: {  	[tilespmem:s2+$0xFFFFFFD0] =	vst v0;
	v0 =	vmul.f32 $8.000000000e+00, v2;
	v2 =	vld [tilespmem:s2+$0x40]  }
0xac: {  	[tilespmem:s2+$0xFFFFFFE0] =	vst v1;
	v1 =	vmul.f32 $8.000000000e+00, v5;
	v5 =	vld [tilespmem:s2+$0x50]  }
0xad: {  	[tilespmem:s2+$0xFFFFFFF0] =	vst v0;
	v0 =	vmul.f32 $8.000000000e+00, v6;
	v6 =	vld [tilespmem:s2+$0x60]  }
0xae: {  	[tilespmem:s2+$0x0] =	vst v1;
	v1 =	vmul.f32 $8.000000000e+00, v3;
	v3 =	vld [tilespmem:s2+$0x70]  }
0xaf: {  	[tilespmem:s2+$0x10] =	vst v0;
	v0 =	vmul.f32 $8.000000000e+00, v4;
	v4 =	vld [tilespmem:s2+$0x80]  }
0xb0: {  	[tilespmem:s2+$0x20] =	vst v1;
	v1 =	vmul.f32 $8.000000000e+00, v2;
	v7 =	vld [tilespmem:s2+$0x90]  }
0xb1: {  	[tilespmem:s2+$0x30] =	vst v0;
	v2 =	vmul.f32 $8.000000000e+00, v5;
	v8 =	vld [tilespmem:s2+$0xA0]  }
.Ltmp1:
0xb2: {  	[tilespmem:s2+$0x40] =	vst v1;
	v5 =	vmul.f32 $8.000000000e+00, v6;
	v0 =	vld [tilespmem:s2+$0xB0];
	(pc) =	sbr.rel @p0 .LBB2_5-.Ltmp1, $4  }
0xb3: {  	[tilespmem:s2+$0x50] =	vst v2;
	v3 =	vmul.f32 $8.000000000e+00, v3;
	v1 =	vld [tilespmem:s2+$0xC0]  }
0xb4: {  	[tilespmem:s2+$0x60] =	vst v5;
	v6 =	vmul.f32 $8.000000000e+00, v4;
	v2 =	vld [tilespmem:s2+$0xD0]  }
0xb5: {  	[tilespmem:s2+$0x70] =	vst v3;
	v5 =	vmul.f32 $8.000000000e+00, v7;
	v3 =	vld [tilespmem:s2+$0xE0]  }
0xb6: {  	s2 =	sadd.s32 $0x200, s2;
	v4 =	vld [tilespmem:s15+$0xFFFFFF00];
	[tilespmem:s15+$0x80] =	vst v6;
	v6 =	vmul.f32 $8.000000000e+00, v8  }
0xb7: {  	[tilespmem:s15+$0x90] =	vst v5;
	v0 =	vmul.f32 $8.000000000e+00, v0  }
0xb8: {  	[tilespmem:s15+$0xA0] =	vst v6;
	v1 =	vmul.f32 $8.000000000e+00, v1  }
0xb9: {  	[tilespmem:s15+$0xB0] =	vst v0;
	v0 =	vmul.f32 $8.000000000e+00, v2  }
0xba: {  	s2 =	sadd.s32 s3, s13;
	[tilespmem:s15+$0xC0] =	vst v1;
	v1 =	vmul.f32 $8.000000000e+00, v3  }
0xbb: {  	s2 =	smul.u32 $0xC80, s2;
	v2 =	vmul.f32 $8.000000000e+00, v4;
	[tilespmem:s15+$0xD0] =	vst v0  }
0xbc: {  	[tilespmem:s15+$0xE0] =	vst v1  }
0xbd: {  	p0 =	seq.s32 s1, $0x1F;
	s2 =	sadd.s32 s5, s2;
	[tilespmem:s15+$0xFFFFFF00] =	vst v2  }
0xbe: {  	[hbm4b:s2+s20] =	stream.strided.scatter [tilespmem:s14], [sflag:$0x6], $0x3200, s9, s20, $0x38;
	[tilespmem:$0x12C00] =	vst v63  }
0xbf: {  	s13 =	smul.u32 @!p0 $0xC80, s1;
	s2 =	simm.s32 @!p0 $0x5  }
0xc0: {  	_ =	swait.ge @!p0 [sflag:s2], $0x3200  }
0xc1: {  	s16 =	simm.s32 @!p0 $0x6400;
	s13 =	sshra.s32 @!p0 s13, $0x2;
	[sflag:s2] =	ssyncset.done @!p0 $0x0  }
0xc2: {  	s15 =	simm.s32 @!p0 $0x80;
	[sflag:s2] =	ssyncadd.s32 @!p0 $0xFFFFCE00;
	s2 =	sadd.s32 @!p0 $0x320, s13  }
0xc3: {  	[tilespmem:s16], [sflag:$0x1] =	stream.indirect.gather @!p0 [hbm4b:s4+s15], $0x40, s2, s15, $0xb8;
	[tilespmem:$0x12C00] =	vst v63  }
0xc4: {  	s2 =	sadd.s32 @!p0 $0x3A0, s13;
	s15 =	simm.s32 @!p0 $0x48;
	s16 =	simm.s32 @!p0 $0x8400  }
0xc5: {  	[tilespmem:s16], [sflag:$0x1] =	stream.indirect.gather @!p0 [hbm4b:s4+s15], $0x40, s2, s15, $0xb8;
	[tilespmem:$0x12C00] =	vst v63  }
0xc6: {  	_ =	swait.ge [sflag:s24], $0x3200  }
0xc7: {  	[sflag:s24] =	ssyncset.done $0x0  }
0xc8: {  	s15 =	simm.s32 $0xC900;
	[sflag:s24] =	ssyncadd.s32 $0xFFFFCE00  }
0xc9: {  	v0 =	vld [tilespmem:s15+$0xF0]  }
0xca: {  	v1 =	vld [tilespmem:s15+$0xFFFFFF10]  }
0xcb: {  	v2 =	vld [tilespmem:s15+$0xFFFFFF20]  }
0xcc: {  	v3 =	vld [tilespmem:s15+$0xFFFFFF30]  }
0xcd: {  	v4 =	vld [tilespmem:s15+$0xFFFFFF40]  }
0xce: {  	v5 =	vld [tilespmem:s15+$0xFFFFFF50];
	v0 =	vmul.f32 $8.000000000e+00, v0  }
0xcf: {  	v6 =	vld [tilespmem:s15+$0xFFFFFF60];
	v1 =	vmul.f32 $8.000000000e+00, v1  }
0xd0: {  	v7 =	vld [tilespmem:s15+$0xFFFFFF70];
	v2 =	vmul.f32 $8.000000000e+00, v2;
	[tilespmem:s15+$0xF0] =	vst v0  }
0xd1: {  	[tilespmem:s15+$0xFFFFFF10] =	vst v1;
	v0 =	vmul.f32 $8.000000000e+00, v3;
	v1 =	vld [tilespmem:s15+$0xFFFFFF80]  }
0xd2: {  	[tilespmem:s15+$0xFFFFFF20] =	vst v2;
	v2 =	vmul.f32 $8.000000000e+00, v4;
	v3 =	vld [tilespmem:s15+$0xFFFFFF90]  }
0xd3: {  	v4 =	vld [tilespmem:s15+$0xFFFFFFA0];
	[tilespmem:s15+$0xFFFFFF30] =	vst v0;
	v0 =	vmul.f32 $8.000000000e+00, v5  }
0xd4: {  	[tilespmem:s15+$0xFFFFFF40] =	vst v2;
	v2 =	vmul.f32 $8.000000000e+00, v6;
	v5 =	vld [tilespmem:s15+$0xFFFFFFB0]  }
0xd5: {  	v6 =	vld [tilespmem:s15+$0xFFFFFFC0];
	[tilespmem:s15+$0xFFFFFF50] =	vst v0;
	v0 =	vmul.f32 $8.000000000e+00, v7  }
0xd6: {  	[tilespmem:s15+$0xFFFFFF60] =	vst v2;
	v2 =	vld [tilespmem:s15+$0xFFFFFFD0];
	v1 =	vmul.f32 $8.000000000e+00, v1  }
0xd7: {  	[tilespmem:s15+$0xFFFFFF70] =	vst v0;
	v0 =	vmul.f32 $8.000000000e+00, v3;
	v3 =	vld [tilespmem:s15+$0xFFFFFFE0]  }
0xd8: {  	[tilespmem:s15+$0xFFFFFF80] =	vst v1;
	v1 =	vmul.f32 $8.000000000e+00, v4;
	v4 =	vld [tilespmem:s15+$0xFFFFFFF0]  }
0xd9: {  	[tilespmem:s15+$0xFFFFFF90] =	vst v0;
	v0 =	vmul.f32 $8.000000000e+00, v5;
	v5 =	vld [tilespmem:s15+$0x0]  }
0xda: {  	[tilespmem:s15+$0xFFFFFFA0] =	vst v1;
	v1 =	vmul.f32 $8.000000000e+00, v6;
	v6 =	vld [tilespmem:s15+$0x10]  }
0xdb: {  	[tilespmem:s15+$0xFFFFFFB0] =	vst v0;
	v0 =	vmul.f32 $8.000000000e+00, v2;
	v2 =	vld [tilespmem:s15+$0x20]  }
0xdc: {  	[tilespmem:s15+$0xFFFFFFC0] =	vst v1;
	v1 =	vmul.f32 $8.000000000e+00, v3;
	v3 =	vld [tilespmem:s15+$0x30]  }
0xdd: {  	[tilespmem:s15+$0xFFFFFFD0] =	vst v0;
	v0 =	vmul.f32 $8.000000000e+00, v4;
	v4 =	vld [tilespmem:s15+$0x40]  }
0xde: {  	[tilespmem:s15+$0xFFFFFFE0] =	vst v1;
	v1 =	vmul.f32 $8.000000000e+00, v5;
	v5 =	vld [tilespmem:s15+$0x50]  }
0xdf: {  	[tilespmem:s15+$0xFFFFFFF0] =	vst v0;
	v0 =	vmul.f32 $8.000000000e+00, v6;
	v6 =	vld [tilespmem:s15+$0x60]  }
0xe0: {  	[tilespmem:s15+$0x0] =	vst v1;
	v1 =	vmul.f32 $8.000000000e+00, v2;
	v2 =	vld [tilespmem:s15+$0x70]  }
0xe1: {  	[tilespmem:s15+$0x10] =	vst v0;
	v0 =	vmul.f32 $8.000000000e+00, v3;
	v3 =	vld [tilespmem:s15+$0x80]  }
0xe2: {  	[tilespmem:s15+$0x20] =	vst v1;
	v1 =	vmul.f32 $8.000000000e+00, v4;
	v4 =	vld [tilespmem:s15+$0x90]  }
0xe3: {  	v7 =	vld [tilespmem:s15+$0xA0];
	[tilespmem:s15+$0x30] =	vst v0;
	v5 =	vmul.f32 $8.000000000e+00, v5  }
0xe4: {  	v0 =	vld [tilespmem:s15+$0xB0];
	[tilespmem:s15+$0x40] =	vst v1;
	v6 =	vmul.f32 $8.000000000e+00, v6  }
0xe5: {  	v1 =	vld [tilespmem:s15+$0xC0];
	[tilespmem:s15+$0x50] =	vst v5;
	v5 =	vmul.f32 $8.000000000e+00, v2  }
0xe6: {  	v2 =	vld [tilespmem:s15+$0xD0];
	[tilespmem:s15+$0x60] =	vst v6;
	v6 =	vmul.f32 $8.000000000e+00, v3  }
0xe7: {  	v3 =	vld [tilespmem:s15+$0xE0];
	[tilespmem:s15+$0x70] =	vst v5;
	v5 =	vmul.f32 $8.000000000e+00, v4  }
0xe8: {  	s16 =	simm.s32 $0x0;
	s2 =	simm.s32 $0xCB00;
	v4 =	vld [tilespmem:s15+$0xFFFFFF00];
	[tilespmem:s15+$0x80] =	vst v6;
	v6 =	vmul.f32 $8.000000000e+00, v7  }
.LBB2_7:
0xe9: {  	v7 =	vld [tilespmem:s2+$0xF0];
	s16 =	sadd.s32 $0x8, s16;
	[tilespmem:s15+$0x90] =	vst v5;
	v0 =	vmul.f32 $8.000000000e+00, v0  }
0xea: {  	v5 =	vld [tilespmem:s2+$0xFFFFFF10];
	p1 =	slt.u32 s16, $0xC0;
	[tilespmem:s15+$0xA0] =	vst v6;
	v1 =	vmul.f32 $8.000000000e+00, v1  }
0xeb: {  	v6 =	vld [tilespmem:s2+$0xFFFFFF20];
	[tilespmem:s15+$0xB0] =	vst v0;
	v0 =	vmul.f32 $8.000000000e+00, v2  }
0xec: {  	v2 =	vld [tilespmem:s2+$0xFFFFFF30];
	[tilespmem:s15+$0xC0] =	vst v1;
	v1 =	vmul.f32 $8.000000000e+00, v3  }
0xed: {  	v3 =	vld [tilespmem:s2+$0xFFFFFF40];
	v4 =	vmul.f32 $8.000000000e+00, v4;
	[tilespmem:s15+$0xD0] =	vst v0  }
0xee: {  	v0 =	vld [tilespmem:s2+$0xFFFFFF50];
	v7 =	vmul.f32 $8.000000000e+00, v7;
	[tilespmem:s15+$0xE0] =	vst v1  }
0xef: {  	v1 =	vmul.f32 $8.000000000e+00, v5;
	v5 =	vld [tilespmem:s2+$0xFFFFFF60];
	[tilespmem:s15+$0xFFFFFF00] =	vst v4;
	s15 =	smov.u32 s2  }
0xf0: {  	v4 =	vmul.f32 $8.000000000e+00, v6;
	v6 =	vld [tilespmem:s2+$0xFFFFFF70];
	[tilespmem:s2+$0xF0] =	vst v7  }
0xf1: {  	[tilespmem:s2+$0xFFFFFF10] =	vst v1;
	v1 =	vmul.f32 $8.000000000e+00, v2;
	v2 =	vld [tilespmem:s2+$0xFFFFFF80]  }
0xf2: {  	[tilespmem:s2+$0xFFFFFF20] =	vst v4;
	v3 =	vmul.f32 $8.000000000e+00, v3;
	v4 =	vld [tilespmem:s2+$0xFFFFFF90]  }
0xf3: {  	[tilespmem:s2+$0xFFFFFF30] =	vst v1;
	v0 =	vmul.f32 $8.000000000e+00, v0;
	v1 =	vld [tilespmem:s2+$0xFFFFFFA0]  }
0xf4: {  	[tilespmem:s2+$0xFFFFFF40] =	vst v3;
	v3 =	vmul.f32 $8.000000000e+00, v5;
	v5 =	vld [tilespmem:s2+$0xFFFFFFB0]  }
0xf5: {  	[tilespmem:s2+$0xFFFFFF50] =	vst v0;
	v0 =	vmul.f32 $8.000000000e+00, v6;
	v6 =	vld [tilespmem:s2+$0xFFFFFFC0]  }
0xf6: {  	[tilespmem:s2+$0xFFFFFF60] =	vst v3;
	v2 =	vmul.f32 $8.000000000e+00, v2;
	v3 =	vld [tilespmem:s2+$0xFFFFFFD0]  }
0xf7: {  	[tilespmem:s2+$0xFFFFFF70] =	vst v0;
	v0 =	vmul.f32 $8.000000000e+00, v4;
	v4 =	vld [tilespmem:s2+$0xFFFFFFE0]  }
0xf8: {  	[tilespmem:s2+$0xFFFFFF80] =	vst v2;
	v1 =	vmul.f32 $8.000000000e+00, v1;
	v2 =	vld [tilespmem:s2+$0xFFFFFFF0]  }
0xf9: {  	[tilespmem:s2+$0xFFFFFF90] =	vst v0;
	v0 =	vmul.f32 $8.000000000e+00, v5;
	v5 =	vld [tilespmem:s2+$0x0]  }
0xfa: {  	[tilespmem:s2+$0xFFFFFFA0] =	vst v1;
	v1 =	vmul.f32 $8.000000000e+00, v6;
	v6 =	vld [tilespmem:s2+$0x10]  }
0xfb: {  	[tilespmem:s2+$0xFFFFFFB0] =	vst v0;
	v0 =	vmul.f32 $8.000000000e+00, v3;
	v3 =	vld [tilespmem:s2+$0x20]  }
0xfc: {  	[tilespmem:s2+$0xFFFFFFC0] =	vst v1;
	v1 =	vmul.f32 $8.000000000e+00, v4;
	v4 =	vld [tilespmem:s2+$0x30]  }
0xfd: {  	[tilespmem:s2+$0xFFFFFFD0] =	vst v0;
	v0 =	vmul.f32 $8.000000000e+00, v2;
	v2 =	vld [tilespmem:s2+$0x40]  }
0xfe: {  	[tilespmem:s2+$0xFFFFFFE0] =	vst v1;
	v1 =	vmul.f32 $8.000000000e+00, v5;
	v5 =	vld [tilespmem:s2+$0x50]  }
0xff: {  	[tilespmem:s2+$0xFFFFFFF0] =	vst v0;
	v0 =	vmul.f32 $8.000000000e+00, v6;
	v6 =	vld [tilespmem:s2+$0x60]  }
0x100: {  	[tilespmem:s2+$0x0] =	vst v1;
	v1 =	vmul.f32 $8.000000000e+00, v3;
	v3 =	vld [tilespmem:s2+$0x70]  }
0x101: {  	[tilespmem:s2+$0x10] =	vst v0;
	v0 =	vmul.f32 $8.000000000e+00, v4;
	v4 =	vld [tilespmem:s2+$0x80]  }
0x102: {  	[tilespmem:s2+$0x20] =	vst v1;
	v1 =	vmul.f32 $8.000000000e+00, v2;
	v7 =	vld [tilespmem:s2+$0x90]  }
0x103: {  	[tilespmem:s2+$0x30] =	vst v0;
	v2 =	vmul.f32 $8.000000000e+00, v5;
	v8 =	vld [tilespmem:s2+$0xA0]  }
.Ltmp2:
0x104: {  	[tilespmem:s2+$0x40] =	vst v1;
	v5 =	vmul.f32 $8.000000000e+00, v6;
	v0 =	vld [tilespmem:s2+$0xB0];
	(pc) =	sbr.rel @p1 .LBB2_7-.Ltmp2, $4  }
0x105: {  	[tilespmem:s2+$0x50] =	vst v2;
	v3 =	vmul.f32 $8.000000000e+00, v3;
	v1 =	vld [tilespmem:s2+$0xC0]  }
0x106: {  	[tilespmem:s2+$0x60] =	vst v5;
	v6 =	vmul.f32 $8.000000000e+00, v4;
	v2 =	vld [tilespmem:s2+$0xD0]  }
0x107: {  	[tilespmem:s2+$0x70] =	vst v3;
	v5 =	vmul.f32 $8.000000000e+00, v7;
	v3 =	vld [tilespmem:s2+$0xE0]  }
0x108: {  	s2 =	sadd.s32 $0x200, s2;
	v4 =	vld [tilespmem:s15+$0xFFFFFF00];
	[tilespmem:s15+$0x80] =	vst v6;
	v6 =	vmul.f32 $8.000000000e+00, v8  }
0x109: {  	[tilespmem:s15+$0x90] =	vst v5;
	v0 =	vmul.f32 $8.000000000e+00, v0  }
0x10a: {  	[tilespmem:s15+$0xA0] =	vst v6;
	v1 =	vmul.f32 $8.000000000e+00, v1  }
0x10b: {  	[tilespmem:s15+$0xB0] =	vst v0;
	v0 =	vmul.f32 $8.000000000e+00, v2  }
0x10c: {  	s2 =	sadd.s32 s3, s12;
	[tilespmem:s15+$0xC0] =	vst v1;
	v1 =	vmul.f32 $8.000000000e+00, v3  }
0x10d: {  	s2 =	smul.u32 $0xC80, s2;
	v2 =	vmul.f32 $8.000000000e+00, v4;
	[tilespmem:s15+$0xD0] =	vst v0  }
0x10e: {  	[tilespmem:s15+$0xE0] =	vst v1  }
0x10f: {  	s2 =	sadd.s32 s5, s2;
	[tilespmem:s15+$0xFFFFFF00] =	vst v2  }
0x110: {  	[hbm4b:s2+s20] =	stream.strided.scatter [tilespmem:s17], [sflag:$0x7], $0x3200, s9, s20, $0x38;
	[tilespmem:$0x12C00] =	vst v63  }
0x111: {  	s2 =	simm.s32 @!p0 $0x6  }
0x112: {  	_ =	swait.ge @!p0 [sflag:s2], $0x3200  }
0x113: {  	s12 =	simm.s32 @!p0 $0x80;
	[sflag:s2] =	ssyncset.done @!p0 $0x0  }
0x114: {  	s15 =	simm.s32 @!p0 $0x9600;
	[sflag:s2] =	ssyncadd.s32 @!p0 $0xFFFFCE00;
	s2 =	sadd.s32 @!p0 $0x3E8, s13  }
0x115: {  	[tilespmem:s15], [sflag:$0x2] =	stream.indirect.gather @!p0 [hbm4b:s4+s12], $0x40, s2, s12, $0xb8;
	[tilespmem:$0x12C00] =	vst v63  }
0x116: {  	s2 =	sadd.s32 @!p0 $0x468, s13;
	s12 =	simm.s32 @!p0 $0x48;
	s13 =	simm.s32 @!p0 $0xB600  }
0x117: {  	[tilespmem:s13], [sflag:$0x2] =	stream.indirect.gather @!p0 [hbm4b:s4+s12], $0x40, s2, s12, $0xb8;
	[tilespmem:$0x12C00] =	vst v63  }
0x118: {  	_ =	swait.ge [sflag:s25], $0x3200  }
0x119: {  	[sflag:s25] =	ssyncset.done $0x0  }
0x11a: {  	s12 =	simm.s32 $0xFB00;
	[sflag:s25] =	ssyncadd.s32 $0xFFFFCE00  }
0x11b: {  	v0 =	vld [tilespmem:s12+$0xF0]  }
0x11c: {  	v1 =	vld [tilespmem:s12+$0xFFFFFF10]  }
0x11d: {  	v2 =	vld [tilespmem:s12+$0xFFFFFF20]  }
0x11e: {  	v3 =	vld [tilespmem:s12+$0xFFFFFF30]  }
0x11f: {  	v4 =	vld [tilespmem:s12+$0xFFFFFF40]  }
0x120: {  	v5 =	vld [tilespmem:s12+$0xFFFFFF50];
	v0 =	vmul.f32 $8.000000000e+00, v0  }
0x121: {  	v6 =	vld [tilespmem:s12+$0xFFFFFF60];
	v1 =	vmul.f32 $8.000000000e+00, v1  }
0x122: {  	v7 =	vld [tilespmem:s12+$0xFFFFFF70];
	v2 =	vmul.f32 $8.000000000e+00, v2;
	[tilespmem:s12+$0xF0] =	vst v0  }
0x123: {  	[tilespmem:s12+$0xFFFFFF10] =	vst v1;
	v0 =	vmul.f32 $8.000000000e+00, v3;
	v1 =	vld [tilespmem:s12+$0xFFFFFF80]  }
0x124: {  	[tilespmem:s12+$0xFFFFFF20] =	vst v2;
	v2 =	vmul.f32 $8.000000000e+00, v4;
	v3 =	vld [tilespmem:s12+$0xFFFFFF90]  }
0x125: {  	v4 =	vld [tilespmem:s12+$0xFFFFFFA0];
	[tilespmem:s12+$0xFFFFFF30] =	vst v0;
	v0 =	vmul.f32 $8.000000000e+00, v5  }
0x126: {  	[tilespmem:s12+$0xFFFFFF40] =	vst v2;
	v2 =	vmul.f32 $8.000000000e+00, v6;
	v5 =	vld [tilespmem:s12+$0xFFFFFFB0]  }
0x127: {  	v6 =	vld [tilespmem:s12+$0xFFFFFFC0];
	[tilespmem:s12+$0xFFFFFF50] =	vst v0;
	v0 =	vmul.f32 $8.000000000e+00, v7  }
0x128: {  	[tilespmem:s12+$0xFFFFFF60] =	vst v2;
	v2 =	vld [tilespmem:s12+$0xFFFFFFD0];
	v1 =	vmul.f32 $8.000000000e+00, v1  }
0x129: {  	[tilespmem:s12+$0xFFFFFF70] =	vst v0;
	v0 =	vmul.f32 $8.000000000e+00, v3;
	v3 =	vld [tilespmem:s12+$0xFFFFFFE0]  }
0x12a: {  	[tilespmem:s12+$0xFFFFFF80] =	vst v1;
	v1 =	vmul.f32 $8.000000000e+00, v4;
	v4 =	vld [tilespmem:s12+$0xFFFFFFF0]  }
0x12b: {  	[tilespmem:s12+$0xFFFFFF90] =	vst v0;
	v0 =	vmul.f32 $8.000000000e+00, v5;
	v5 =	vld [tilespmem:s12+$0x0]  }
0x12c: {  	[tilespmem:s12+$0xFFFFFFA0] =	vst v1;
	v1 =	vmul.f32 $8.000000000e+00, v6;
	v6 =	vld [tilespmem:s12+$0x10]  }
0x12d: {  	[tilespmem:s12+$0xFFFFFFB0] =	vst v0;
	v0 =	vmul.f32 $8.000000000e+00, v2;
	v2 =	vld [tilespmem:s12+$0x20]  }
0x12e: {  	[tilespmem:s12+$0xFFFFFFC0] =	vst v1;
	v1 =	vmul.f32 $8.000000000e+00, v3;
	v3 =	vld [tilespmem:s12+$0x30]  }
0x12f: {  	[tilespmem:s12+$0xFFFFFFD0] =	vst v0;
	v0 =	vmul.f32 $8.000000000e+00, v4;
	v4 =	vld [tilespmem:s12+$0x40]  }
0x130: {  	[tilespmem:s12+$0xFFFFFFE0] =	vst v1;
	v1 =	vmul.f32 $8.000000000e+00, v5;
	v5 =	vld [tilespmem:s12+$0x50]  }
0x131: {  	[tilespmem:s12+$0xFFFFFFF0] =	vst v0;
	v0 =	vmul.f32 $8.000000000e+00, v6;
	v6 =	vld [tilespmem:s12+$0x60]  }
0x132: {  	[tilespmem:s12+$0x0] =	vst v1;
	v1 =	vmul.f32 $8.000000000e+00, v2;
	v2 =	vld [tilespmem:s12+$0x70]  }
0x133: {  	[tilespmem:s12+$0x10] =	vst v0;
	v0 =	vmul.f32 $8.000000000e+00, v3;
	v3 =	vld [tilespmem:s12+$0x80]  }
0x134: {  	[tilespmem:s12+$0x20] =	vst v1;
	v1 =	vmul.f32 $8.000000000e+00, v4;
	v4 =	vld [tilespmem:s12+$0x90]  }
0x135: {  	v7 =	vld [tilespmem:s12+$0xA0];
	[tilespmem:s12+$0x30] =	vst v0;
	v5 =	vmul.f32 $8.000000000e+00, v5  }
0x136: {  	v0 =	vld [tilespmem:s12+$0xB0];
	[tilespmem:s12+$0x40] =	vst v1;
	v6 =	vmul.f32 $8.000000000e+00, v6  }
0x137: {  	v1 =	vld [tilespmem:s12+$0xC0];
	[tilespmem:s12+$0x50] =	vst v5;
	v5 =	vmul.f32 $8.000000000e+00, v2  }
0x138: {  	v2 =	vld [tilespmem:s12+$0xD0];
	[tilespmem:s12+$0x60] =	vst v6;
	v6 =	vmul.f32 $8.000000000e+00, v3  }
0x139: {  	v3 =	vld [tilespmem:s12+$0xE0];
	[tilespmem:s12+$0x70] =	vst v5;
	v5 =	vmul.f32 $8.000000000e+00, v4  }
0x13a: {  	s13 =	simm.s32 $0x0;
	s2 =	simm.s32 $0xFD00;
	v4 =	vld [tilespmem:s12+$0xFFFFFF00];
	[tilespmem:s12+$0x80] =	vst v6;
	v6 =	vmul.f32 $8.000000000e+00, v7  }
.LBB2_9:
0x13b: {  	v7 =	vld [tilespmem:s2+$0xF0];
	s13 =	sadd.s32 $0x8, s13;
	[tilespmem:s12+$0x90] =	vst v5;
	v0 =	vmul.f32 $8.000000000e+00, v0  }
0x13c: {  	v5 =	vld [tilespmem:s2+$0xFFFFFF10];
	p0 =	slt.u32 s13, $0xC0;
	[tilespmem:s12+$0xA0] =	vst v6;
	v1 =	vmul.f32 $8.000000000e+00, v1  }
0x13d: {  	v6 =	vld [tilespmem:s2+$0xFFFFFF20];
	[tilespmem:s12+$0xB0] =	vst v0;
	v0 =	vmul.f32 $8.000000000e+00, v2  }
0x13e: {  	v2 =	vld [tilespmem:s2+$0xFFFFFF30];
	[tilespmem:s12+$0xC0] =	vst v1;
	v1 =	vmul.f32 $8.000000000e+00, v3  }
0x13f: {  	v3 =	vld [tilespmem:s2+$0xFFFFFF40];
	v4 =	vmul.f32 $8.000000000e+00, v4;
	[tilespmem:s12+$0xD0] =	vst v0  }
0x140: {  	v0 =	vld [tilespmem:s2+$0xFFFFFF50];
	v7 =	vmul.f32 $8.000000000e+00, v7;
	[tilespmem:s12+$0xE0] =	vst v1  }
0x141: {  	v1 =	vmul.f32 $8.000000000e+00, v5;
	v5 =	vld [tilespmem:s2+$0xFFFFFF60];
	[tilespmem:s12+$0xFFFFFF00] =	vst v4;
	s12 =	smov.u32 s2  }
0x142: {  	v4 =	vmul.f32 $8.000000000e+00, v6;
	v6 =	vld [tilespmem:s2+$0xFFFFFF70];
	[tilespmem:s2+$0xF0] =	vst v7  }
0x143: {  	[tilespmem:s2+$0xFFFFFF10] =	vst v1;
	v1 =	vmul.f32 $8.000000000e+00, v2;
	v2 =	vld [tilespmem:s2+$0xFFFFFF80]  }
0x144: {  	[tilespmem:s2+$0xFFFFFF20] =	vst v4;
	v3 =	vmul.f32 $8.000000000e+00, v3;
	v4 =	vld [tilespmem:s2+$0xFFFFFF90]  }
0x145: {  	[tilespmem:s2+$0xFFFFFF30] =	vst v1;
	v0 =	vmul.f32 $8.000000000e+00, v0;
	v1 =	vld [tilespmem:s2+$0xFFFFFFA0]  }
0x146: {  	[tilespmem:s2+$0xFFFFFF40] =	vst v3;
	v3 =	vmul.f32 $8.000000000e+00, v5;
	v5 =	vld [tilespmem:s2+$0xFFFFFFB0]  }
0x147: {  	[tilespmem:s2+$0xFFFFFF50] =	vst v0;
	v0 =	vmul.f32 $8.000000000e+00, v6;
	v6 =	vld [tilespmem:s2+$0xFFFFFFC0]  }
0x148: {  	[tilespmem:s2+$0xFFFFFF60] =	vst v3;
	v2 =	vmul.f32 $8.000000000e+00, v2;
	v3 =	vld [tilespmem:s2+$0xFFFFFFD0]  }
0x149: {  	[tilespmem:s2+$0xFFFFFF70] =	vst v0;
	v0 =	vmul.f32 $8.000000000e+00, v4;
	v4 =	vld [tilespmem:s2+$0xFFFFFFE0]  }
0x14a: {  	[tilespmem:s2+$0xFFFFFF80] =	vst v2;
	v1 =	vmul.f32 $8.000000000e+00, v1;
	v2 =	vld [tilespmem:s2+$0xFFFFFFF0]  }
0x14b: {  	[tilespmem:s2+$0xFFFFFF90] =	vst v0;
	v0 =	vmul.f32 $8.000000000e+00, v5;
	v5 =	vld [tilespmem:s2+$0x0]  }
0x14c: {  	[tilespmem:s2+$0xFFFFFFA0] =	vst v1;
	v1 =	vmul.f32 $8.000000000e+00, v6;
	v6 =	vld [tilespmem:s2+$0x10]  }
0x14d: {  	[tilespmem:s2+$0xFFFFFFB0] =	vst v0;
	v0 =	vmul.f32 $8.000000000e+00, v3;
	v3 =	vld [tilespmem:s2+$0x20]  }
0x14e: {  	[tilespmem:s2+$0xFFFFFFC0] =	vst v1;
	v1 =	vmul.f32 $8.000000000e+00, v4;
	v4 =	vld [tilespmem:s2+$0x30]  }
0x14f: {  	[tilespmem:s2+$0xFFFFFFD0] =	vst v0;
	v0 =	vmul.f32 $8.000000000e+00, v2;
	v2 =	vld [tilespmem:s2+$0x40]  }
0x150: {  	[tilespmem:s2+$0xFFFFFFE0] =	vst v1;
	v1 =	vmul.f32 $8.000000000e+00, v5;
	v5 =	vld [tilespmem:s2+$0x50]  }
0x151: {  	[tilespmem:s2+$0xFFFFFFF0] =	vst v0;
	v0 =	vmul.f32 $8.000000000e+00, v6;
	v6 =	vld [tilespmem:s2+$0x60]  }
0x152: {  	[tilespmem:s2+$0x0] =	vst v1;
	v1 =	vmul.f32 $8.000000000e+00, v3;
	v3 =	vld [tilespmem:s2+$0x70]  }
0x153: {  	[tilespmem:s2+$0x10] =	vst v0;
	v0 =	vmul.f32 $8.000000000e+00, v4;
	v4 =	vld [tilespmem:s2+$0x80]  }
0x154: {  	[tilespmem:s2+$0x20] =	vst v1;
	v1 =	vmul.f32 $8.000000000e+00, v2;
	v7 =	vld [tilespmem:s2+$0x90]  }
0x155: {  	[tilespmem:s2+$0x30] =	vst v0;
	v2 =	vmul.f32 $8.000000000e+00, v5;
	v8 =	vld [tilespmem:s2+$0xA0]  }
.Ltmp3:
0x156: {  	[tilespmem:s2+$0x40] =	vst v1;
	v5 =	vmul.f32 $8.000000000e+00, v6;
	v0 =	vld [tilespmem:s2+$0xB0];
	(pc) =	sbr.rel @p0 .LBB2_9-.Ltmp3, $4  }
0x157: {  	[tilespmem:s2+$0x50] =	vst v2;
	v3 =	vmul.f32 $8.000000000e+00, v3;
	v1 =	vld [tilespmem:s2+$0xC0]  }
0x158: {  	[tilespmem:s2+$0x60] =	vst v5;
	v6 =	vmul.f32 $8.000000000e+00, v4;
	v2 =	vld [tilespmem:s2+$0xD0]  }
0x159: {  	[tilespmem:s2+$0x70] =	vst v3;
	v5 =	vmul.f32 $8.000000000e+00, v7;
	v3 =	vld [tilespmem:s2+$0xE0]  }
0x15a: {  	s2 =	sadd.s32 $0x200, s2;
	v4 =	vld [tilespmem:s12+$0xFFFFFF00];
	[tilespmem:s12+$0x80] =	vst v6;
	v6 =	vmul.f32 $8.000000000e+00, v8  }
0x15b: {  	[tilespmem:s12+$0x90] =	vst v5;
	v0 =	vmul.f32 $8.000000000e+00, v0  }
0x15c: {  	s1 =	sadd.s32 $0x1, s1;
	[tilespmem:s12+$0xA0] =	vst v6;
	v1 =	vmul.f32 $8.000000000e+00, v1  }
0x15d: {  	p0 =	sne.s32 s1, $0x20;
	[tilespmem:s12+$0xB0] =	vst v0;
	v61 =	vmul.f32 $8.000000000e+00, v2  }
.Ltmp4:
0x15e: {  	s0 =	sadd.s32 s3, s0;
	[tilespmem:s12+$0xC0] =	vst v1;
	v62 =	vmul.f32 $8.000000000e+00, v3;
	(pc) =	sbr.rel @p0 .LBB2_2-.Ltmp4, $4  }
0x15f: {  	s0 =	smul.u32 $0xC80, s0;
	v63 =	vmul.f32 $8.000000000e+00, v4;
	[tilespmem:s12+$0xD0] =	vst v61  }
0x160: {  	[tilespmem:s12+$0xE0] =	vst v62  }
0x161: {  	s0 =	sadd.s32 s5, s0;
	[tilespmem:s12+$0xFFFFFF00] =	vst v63  }
0x162: {  	[hbm4b:s0+s20] =	stream.strided.scatter [tilespmem:s21], [sflag:$0x8], $0x3200, s9, s20, $0x38;
	[tilespmem:$0x12C00] =	vst v63  }
0x163: {  	_ =	swait.ge [sflag:s26], $0x3200  }
0x164: {  	[sflag:s26] =	ssyncset.done $0x0  }
0x165: {  	[sflag:s26] =	ssyncadd.s32 $0xFFFFCE00  }
0x166: {  	_ =	swait.ge [sflag:s28], $0x3200  }
0x167: {  	[sflag:s28] =	ssyncset.done $0x0  }
0x168: {  	s31 =	sadd.s32 $0x1, s31;
	[sflag:s28] =	ssyncadd.s32 $0xFFFFCE00  }
0x169: {  	p0 =	sne.s32 s31, s7;
	_ =	swait.ge [sflag:s29], $0x3200  }
.Ltmp5:
0x16a: {  	[sflag:s29] =	ssyncset.done $0x0;
	(pc) =	sbr.rel @p0 .LBB2_1-.Ltmp5, $4  }
0x16b: {  	[sflag:s29] =	ssyncadd.s32 $0xFFFFCE00  }
0x16c: {  	_ =	swait.ge [sflag:s30], $0x3200  }
0x16d: {  	[sflag:s30] =	ssyncset.done $0x0  }
0x16e: {  	[sflag:s30] =	ssyncadd.s32 $0xFFFFCE00  }
0x16f: {  	_ =	sfence.sel $0x180000  }
0x170: {  	[bflag:$0x0] =	sbarrier.arrive $0xFFFF  }
0x171: {  	_ =	strace $0x90000047  }
0x172: {  	s0 =	stileid.u32;
	[bflag:$0x2] =	sbarrier.arrive $0xFFFF  }
0x173: {  	p0 =	sne.s32 s0, $0x0;
	s0 =	rddreg [dreg:$0x2]  }
0x174: {  	s0 =	sadd.s32 @!p0 $0x100000, s0  }
0x175: {  	[sflag:s0] =	ssyncadd.tile.s32 @!p0 $0x1;
	_ =	shalt  }
.Lfunc_end2:
_tile_overlayer_lowered:
.L_overlay_start_2:
0x176: {  	(tag) =	ssettag $0x2  }
0x177: {  	s0 =	rddreg [dreg:$0x0];
	s2 =	stileid.u32  }
0x178: {  	s1 =	rddreg [dreg:$0x1];
	p0 =	sne.s32 s2, $0x0  }
0x179: {  	s3 =	rddreg [dreg:$0x2];
	[bflag:$0x3] =	sbarrier.arrive $0xFFFF;
	s2 =	simm.s32 @!p0 $0x1C09  }
0x17a: {  	[timem:s3], [sflag:s2] =	dma.local @!p0 [hbm:s0], s1  }
0x17b: {  	s0 =	simm.s32 @!p0 $0x9  }
0x17c: {  	_ =	swait.ge @!p0 [sflag:s0], s1  }
0x17d: {  	s1 =	ssub.s32 @!p0 $0x0, s1;
	[sflag:s0] =	ssyncset.done @!p0 $0x0  }
0x17e: {  	[sflag:s0] =	ssyncadd.s32 @!p0 s1  }
0x17f: {  	[bflag:$0x3] =	sbarrier.arrive $0xFFFF  }
0x180: {  	_ =	shalt  }

// kernel: sparse-core-data-format-call.cloned.1.call-start
scs
called_computation_lowered:
.L_overlay_start_0:
0x0: {  	s2 =	sld [smem:$0x3FD9]  }
0x1: {  	s3 =	sld [smem:$0x3FFE];
	_ =	sdelay $0x1  }
0x2: {  	s1 =	srdreg.scid  }
0x3: {  	s0 =	sand.u32 $0x1, s1  }
0x4: {  	s18 =	sshll.u32 s0, $0xA;
	s2 =	sadd.s32 s3, s2  }
0x5: {  	s2 =	sadd.s32 s2, s18  }
0x6: {  	[smem:$0x3FC6] =	sst s2  }
0x7: {  	_ = 	snop  }
0x8: {  	s2 =	sld [smem:$0x3FD0];
	(tm) =	ssettm $0x1  }
0x9: {  	s19 =	sld [smem:$0x3FFB];
	_ =	sdelay $0x3  }
0xa: {  	_ =	strace s19  }
0xb: {  	s3 =	sld [smem:$0x3FFC];
	_ =	sdelay $0x3  }
0xc: {  	_ =	strace s3  }
0xd: {  	s3 =	sld [smem:$0x3FFD];
	_ =	sdelay $0x3  }
0xe: {  	_ =	strace s3  }
0xf: {  	_ =	strace $0x8FFFFFFF  }
0x10: {  	s20 =	sld [smem:$0x3FDB];
	_ =	sdelay $0x1  }
0x11: {  	s4 =	simm.s32 $_scs_section_size  }
0x12: {  	s5 =	simm.s32 $_size__tile_overlayer_lowered;
	s6 =	simm.s32 $_tile_overlayer_lowered  }
0x13: {  	s23 =	simm.s32 $0x1BFF;
	s22 =	sshll.u32 s6, $0x1;
	s3 =	sadd.s32 s4, s20  }
0x14: {  	s7 =	simm.s32 $0x0;
	s21 =	sshll.u32 s5, $0x1;
	s5 =	sadd.s32 s22, s3  }
0x15: {  	[timem:s7], [sflag:s23] =	dma.local [hbm:s5], s21  }
0x16: {  	_ =	swait.ge [sflag:s23], s21  }
0x17: {  	s4 =	ssub.s32 $0x0, s21;
	[sflag:s23] =	ssyncset.done $0x0  }
0x18: {  	[sflag:s23] =	ssyncadd.s32 s4;
	_ =	sdelay $0x1  }
0x19: {  	s24 =	simm.s32 $0x1B8B  }
0x1a: {  	_ =	swait.ge [sflag:s24], $0x1  }
0x1b: {  	[sflag:s24] =	ssyncset.done $0x0  }
0x1c: {  	s26 =	simm.s32 $0x1B8E;
	s25 =	sld [smem:$0x3FFE];
	[sflag:s24] =	ssyncadd.s32 $0xFFFFFFFF  }
0x1d: {  	s27 =	simm.s32 $execute0_lowered;
	[smem:$0x3FD2] =	sst s26  }
0x1e: {  	s5 =	sshll.u32 s27, $0x1;
	_ =	strace $0x80000049;
	[dreg:$0x1] =	wrdreg $0xFFFFFFFF  }
0x1f: {  	s28 =	simm.s32 $_size_execute0_lowered;
	s3 =	sadd.s32 s3, s5;
	[dreg:$0x0] =	wrdreg $0x0  }
0x20: {  	s5 =	sshll.u32 s28, $0x1;
	[dreg:$0x2] =	wrdreg s3  }
0x21: {  	[dreg:$0x3] =	wrdreg s5  }
0x22: {  	[dreg:$0x4] =	wrdreg $0xC0  }
0x23: {  	_ =	task [dreg:s7], $0x5FFFF  }
0x24: {  	[dreg:$0x1] =	wrdreg $0xFFFFFFFF  }
0x25: {  	[dreg:$0x0] =	wrdreg $0x60  }
0x26: {  	[dreg:$0x2] =	wrdreg s25  }
0x27: {  	[dreg:$0x3] =	wrdreg s2  }
0x28: {  	[dreg:$0x4] =	wrdreg $0x9  }
0x29: {  	_ =	task.clear_ibuf [dreg:s7], $0x5FFFF;
	_ =	strace $0x90000049  }
0x2a: {  	s29 =	simm.s32 $0x9;
	_ =	strace $0x8000004B  }
0x2b: {  	_ =	swait.ge [sflag:s29], $0x1  }
0x2c: {  	[sflag:s29] =	ssyncadd.s32 $0xFFFFFFFF  }
0x2d: {  	_ =	strace $0x9000004B  }
0x2e: {  	_ =	sfence  }
0x2f: {  	s30 =	sld [smem:$0x0];
	_ =	sdelay $0x2  }
0x30: {  	s31 =	sshll.u32 s1, $0xD;
	s1 =	sshrl.u32 s1, $0x2  }
0x31: {  	s3 =	sand.u32 $0x4000, s31;
	s1 =	sadd.s32 s1, s30  }
0x32: {  	s0 =	sor.u32 s3, s0;
	s1 =	sshll.u32 s1, $0x11  }
0x33: {  	s0 =	sor.u32 s1, s0  }
0x34: {  	s0 =	sadd.s32 $0x8F2B, s0  }
0x35: {  	[sflag:s0] =	ssyncadd.remote.s32 $0x1  }
0x36: {  	_ =	sfence.sel $0xFFFF  }
0x37: {  	[dreg:$0x0] =	wrdreg $0xFFFFFFFF;
	(pc) =	sbr.abs _section_cstart, $3  }
0x38: {  	[dreg:$0x1] =	wrdreg $0xFFFFFFFF  }
0x39: {  	_ =	task.clear_ibuf [dreg:s7], $0x2FFFF;
	_ =	strace $0x9FFFFFFF  }
0x3a: {  	(tm) =	ssettm $0x7FFFFFFF  }
0x3b: {  	_ =	shalt  }
tec
execute0_lowered:
.L_overlay_start_1:
0x0: {  	(tag) =	ssettag $0x1  }
0x1: {  	s0 =	srdreg.scid  }
0x2: {  	s1 =	sshll.u32 s0, $0x4  }
0x3: {  	s0 =	stileid.u32;
	s1 =	sand.u32 $0x10, s1  }
0x4: {  	s1 =	sor.u32 s0, s1  }
0x5: {  	s6 =	rddreg [dreg:$0x0];
	s4 =	simm.s32 $0x1;
	s2 =	sshll.u32 s1, $0x7  }
0x6: {  	s7 =	simm.s32 $0x2;
	s12 =	simm.s32 $0x0;
	s1 =	ssub.s32 $0x1000, s2  }
0x7: {  	s8 =	simm.s32 $0x8000;
	s13 =	simm.s32 $0x0;
	s3 =	sand.u32 $0xF80, s1  }
0x8: {  	s9 =	simm.s32 $0x0;
	s5 =	sshrl.u32 s1, $0xC;
	p0 =	sne.s32 s3, $0x0  }
.Ltmp0:
0x9: {  	s1 =	rddreg [dreg:$0x2];
	s4 =	simm.s32 @!p0 $0x0;
	(pc) =	sbr.rel .LBB1_1-.Ltmp0, $4  }
0xa: {  	s11 =	simm.s32 $0x0;
	s3 =	rddreg [dreg:$0x1];
	s5 =	sadd.s32 s4, s5  }
0xb: {  	_ =	strace $0x8000004A;
	s4 =	simm.s32 $0x1;
	s5 =	smul.u32 $0xC8, s5  }
0xc: {  	s6 =	sadd.s32 $0xA00, s6;
	s10 =	smov.u32 s2;
	[sflag:s4] =	ssyncpa.u1 $0x0  }
0xd: {  	p0 =	por $0x0, $0x0;
	[sflag:s7] =	ssyncpa.u1 $0x0;
	s7 =	sor.u32 $0x1, s5  }
.LBB1_4:
0xe: {  	s16 =	sshll.u32 s13, $0x3;
	s17 =	sand.u32 $0x78, s13  }
0xf: {  	s30 =	sand.u32 $0x7E00, s13;
	s12 =	sshll.u32 s12, $0xF;
	s16 =	sand.u32 $0xC00, s16  }
0x10: {  	[tilespmem:s15+$0x810 ss:$0x81] =	vst.msk $0xffff, v2;
	s31 =	sand.u32 $0x7, s13;
	s16 =	sor.u32 s17, s16;
	s17 =	sadd.s32 s3, s30  }
0x11: {  	[tilespmem:s15+$0x1020 ss:$0x81] =	vst.msk $0xffff, v0;
	s13 =	sshll.u32 s31, $0x12;
	s12 =	sadd.s32 s12, s17;
	s16 =	sshrl.u32 s16, $0x3  }
0x12: {  	[tilespmem:s15+$0x0 ss:$0x81] =	vst.msk $0xffff, v1;
	s13 =	sor.u32 $0x400, s13;
	s12 =	sadd.s32 s16, s12  }
0x13: {  	[hbm4b:s12+s13] =	stream.strided.scatter [tilespmem:s14], [sflag:$0x2], $0x2000, s8, s13, $0x20;
	[tilespmem:$0x8080] =	vst v63  }
.LBB1_5:
0x14: {  	s14 =	sadd.s32 $0x1, s9  }
0x15: {  	s12 =	sadd.s32 $0x1000, s10;
	s16 =	smov.u32 s10;
	p2 =	sgt.s32 s14, $0xC7  }
0x16: {  	s16 =	smov.u32 @p2 s12  }
0x17: {  	s14 =	simm.s32 @p2 $0x0;
	p2 =	sgt.s32 s16, $0xFFF  }
0x18: {  	s16 =	smov.u32 @p2 s2;
	p2 =	sne.s32 s11, s7  }
.Ltmp1:
0x19: {  	p1 =	slt.u32 s11, $0x2;
	(pc) =	sbr.rel @!p2 .LBB1_6-.Ltmp1, $4  }
0x1a: {  	s15 =	simm.s32 @!p1 $0x2  }
0x1b: {  	s13 =	smov.u32 s10;
	p0 =	por !p0, !p0;
	_ =	swait.ge @!p1 [sflag:s15], $0x2000  }
0x1c: {  	s12 =	smov.u32 s9;
	[sflag:s15] =	ssyncset.done @!p1 $0x0;
	s9 =	smov.u32 s14  }
0x1d: {  	s11 =	sadd.s32 $0x1, s11;
	[sflag:s15] =	ssyncadd.s32 @!p1 $0xFFFFE000;
	s10 =	smov.u32 s16  }
.LBB1_1:
0x1e: {  	p1 =	sge.u32 s11, s5  }
0x1f: {  	s14 =	sand.u32 @!p1 $0x1FFFFFF, s9  }
0x20: {  	s15 =	smulhi.u32 @!p1 $0x147AE15, s14;
	_ =	sdelay $0x1  }
0x21: {  	s15 =	smul.u32 @!p1 $0xC8, s15  }
0x22: {  	s16 =	sxor.u32 @!p1 $0xFFFFFFFF, s11;
	s17 =	smul.u32 @!p1 $0xC80, s10  }
0x23: {  	s31 =	sadd.s32 $0xFFFFFFFF, s11;
	s16 =	sshll.u32 @!p1 s16, $0xD;
	s14 =	ssub.s32 @!p1 s14, s15  }
0x24: {  	s15 =	sand.u32 @!p1 $0x2000, s16;
	s16 =	sadd.s32 @!p1 s6, s17;
	s14 =	sshll.u32 @!p1 s14, $0x4  }
0x25: {  	s17 =	simm.s32 @!p1 $0x6400;
	s14 =	sadd.s32 @!p1 s14, s16;
	s16 =	simm.s32 @!p1 $0x40  }
0x26: {  	[tilespmem:s15], [sflag:$0x1] =	stream.strided.gather @!p1 [hbm4b:s14+s16], $0x2000, s17, s16, $0x38;
	[tilespmem:$0x8080] =	vst v63  }
0x27: {  	p1 =	sge.u32 s31, s5  }
.Ltmp2:
0x28: {  	_ = 	snop;
	(pc) =	sbr.rel @p1 .LBB1_5-.Ltmp2, $1  }
0x29: {  	_ =	sdelay $0x3  }
0x2a: {  	s14 =	simm.s32 $0x1  }
0x2b: {  	_ =	swait.ge [sflag:s4], $0x2000;
	s14 =	simm.s32 @!p0 $0x0  }
0x2c: {  	[sflag:s4] =	ssyncset.done $0x0;
	s15 =	sshll.u32 s14, $0xD  }
0x2d: {  	[sflag:s4] =	ssyncadd.s32 $0xFFFFE000;
	s18 =	sor.u32 $0x20, s15  }
0x2e: {  	s14 =	smul.u32 $0x8100, s14;
	v3 =	vld [tilespmem:s18+$0x10]  }
0x2f: {  	s30 =	sand.u32 $0x1, s11;
	v2 =	vld [tilespmem:s18+$0xFFFFFFF0]  }
0x30: {  	s15 =	smul.u32 $0x8100, s30;
	s14 =	sshrl.u32 s14, $0x2;
	v0 =	vld [tilespmem:s18+$0x0]  }
0x31: {  	v1 =	vld [tilespmem:s18+$0xFFFFFFE0];
	s16 =	sor.u32 $0x4000, s14  }
0x32: {  	s31 =	sshrl.u32 s15, $0x2;
	s15 =	sadd.s32 $0x0, s16  }
0x33: {  	s17 =	simm.s32 $0x4;
	s18 =	sadd.s32 $0x40, s18;
	s14 =	sor.u32 $0x4000, s31;
	[tilespmem:s15+$0x1830 ss:$0x81] =	vst.msk $0xffff, v3  }
.LBB1_3:
0x34: {  	v3 =	vld [tilespmem:s18+$0x10];
	p1 =	sne.s32 s17, $0x1FC;
	[tilespmem:s15+$0x810 ss:$0x81] =	vst.msk $0xffff, v2;
	s19 =	smov.u32 s17;
	s17 =	sadd.s32 $0x4, s17  }
.Ltmp3:
0x35: {  	v2 =	vld [tilespmem:s18+$0xFFFFFFF0];
	[tilespmem:s15+$0x1020 ss:$0x81] =	vst.msk $0xffff, v0;
	(pc) =	sbr.rel @p1 .LBB1_3-.Ltmp3, $4  }
0x36: {  	v0 =	vld [tilespmem:s18+$0x0];
	[tilespmem:s15+$0x0 ss:$0x81] =	vst.msk $0xffff, v1  }
0x37: {  	s15 =	sshra.s32 s19, $0x2;
	v1 =	vld [tilespmem:s18+$0xFFFFFFE0]  }
0x38: {  	s15 =	sadd.s32 s15, s16  }
0x39: {  	s18 =	sadd.s32 $0x40, s18;
	[tilespmem:s15+$0x1830 ss:$0x81] =	vst.msk $0xffff, v3  }
.Ltmp4:
0x3a: {  	_ = 	snop;
	(pc) =	sbr.rel .LBB1_4-.Ltmp4, $1  }
0x3b: {  	_ =	sdelay $0x3  }
.LBB1_6:
0x3c: {  	_ =	sfence.sel $0x180000  }
0x3d: {  	s2 =	simm.s32 $0x1;
	[bflag:$0x0] =	sbarrier.arrive $0xFFFF  }
0x3e: {  	s31 =	simm.s32 $0x2;
	[sflag:s2] =	ssyncpa.u1 $0x1  }
0x3f: {  	[sflag:s31] =	ssyncpa.u1 $0x1  }
0x40: {  	p0 =	sne.s32 s0, $0x0;
	_ =	strace $0x9000004A  }
0x41: {  	s0 =	sadd.s32 @!p0 $0x100000, s1;
	[bflag:$0x2] =	sbarrier.arrive $0xFFFF  }
0x42: {  	[sflag:s0] =	ssyncadd.tile.s32 @!p0 $0x1;
	_ =	shalt  }
.Lfunc_end1:
_tile_overlayer_lowered:
.L_overlay_start_2:
0x43: {  	(tag) =	ssettag $0x2  }
0x44: {  	s0 =	rddreg [dreg:$0x0];
	s2 =	stileid.u32  }
0x45: {  	s1 =	rddreg [dreg:$0x1];
	p0 =	sne.s32 s2, $0x0  }
0x46: {  	s3 =	rddreg [dreg:$0x2];
	[bflag:$0x3] =	sbarrier.arrive $0xFFFF;
	s2 =	simm.s32 @!p0 $0x1C01  }
0x47: {  	[timem:s3], [sflag:s2] =	dma.local @!p0 [hbm:s0], s1  }
0x48: {  	s0 =	simm.s32 @!p0 $0x1  }
0x49: {  	_ =	swait.ge @!p0 [sflag:s0], s1  }
0x4a: {  	s1 =	ssub.s32 @!p0 $0x0, s1;
	[sflag:s0] =	ssyncset.done @!p0 $0x0  }
0x4b: {  	[sflag:s0] =	ssyncadd.s32 @!p0 s1  }
0x4c: {  	[bflag:$0x3] =	sbarrier.arrive $0xFFFF  }
0x4d: {  	_ =	shalt  }

</sc_bundles>
